<compile_context>
chip_gen: v7x
topology: tpu7x:2x2x1
jax: 0.10.2.dev20260603
libtpu: 0.0.44.dev20260713+nightly
codegen_flags: <defaults>
</compile_context>

<pallas_src>
import functools

import jax
import jax.numpy as jnp
from jax import lax
from jax.experimental import pallas as pl
from jax.experimental.pallas import tpu as pltpu
from jax.experimental.pallas import tpu_sc as plsc

N = 320000
D = 128
M = 10000
NC = 2
NS = 16
NW = NC * NS
E = N // NW
CH = 80
NCHUNK = E // CH
RPT = 632
RPT_LAST = M - RPT * (NS - 1)


NBUF = 4


def _sc_body(i_hbm, idx_hbm, p_hbm, out_hbm, rows, idxb, acc, frow, fidx,
             ssem):
    c = lax.axis_index("c")
    s = lax.axis_index("s")
    wid = s * NC + c
    base = wid * E

    @pl.when(s < NS - 1)
    def _():
        pltpu.sync_copy(p_hbm.at[pl.ds(s * RPT, RPT)], acc.at[pl.ds(s * RPT, RPT)])

    @pl.when(s == NS - 1)
    def _():
        pltpu.sync_copy(p_hbm.at[pl.ds((NS - 1) * RPT, RPT_LAST)],
                        acc.at[pl.ds((NS - 1) * RPT, RPT_LAST)])

    plsc.subcore_barrier()

    def fetch(k, b):
        pltpu.async_copy(i_hbm.at[pl.ds(base + k * CH, CH)], rows[b], frow[b])
        pltpu.async_copy(idx_hbm.at[pl.ds(base + k * CH, CH)], idxb[b], fidx[b])

    def wait_fetch(b):
        pltpu.make_async_copy(i_hbm.at[pl.ds(0, CH)], rows[b], frow[b]).wait()
        pltpu.make_async_copy(idx_hbm.at[pl.ds(0, CH)], idxb[b], fidx[b]).wait()

    def wait_scatter(b):
        pltpu.make_async_copy(rows[b], acc.at[idxb[b]], ssem[b]).wait()

    def step(k, j, wait_sc, do_fetch):
        b = j % NBUF
        wait_fetch(b)
        pltpu.async_copy(rows[b], acc.at[idxb[b]], ssem[b], add=True)
        bf = (j + 2) % NBUF
        if wait_sc:
            wait_scatter(bf)
        if do_fetch:
            fetch(k + 2, bf)

    fetch(0, 0)
    fetch(1, 1)
    step(0, 0, False, True)
    step(1, 1, False, True)
    step(2, 2, True, True)
    step(3, 3, True, True)

    @pl.loop(1, (NCHUNK - 5) // NBUF)
    def _(g):
        for j in range(NBUF):
            step(NBUF * g + j, j, True, True)

    step(NCHUNK - 5, 0, True, True)
    step(NCHUNK - 4, 1, True, True)
    step(NCHUNK - 3, 2, True, True)
    step(NCHUNK - 2, 3, True, False)
    step(NCHUNK - 1, 0, True, False)
    wait_scatter(3)
    wait_scatter(0)

    plsc.subcore_barrier()

    @pl.when(s < NS - 1)
    def _():
        pltpu.sync_copy(acc.at[pl.ds(s * RPT, RPT)], out_hbm.at[c, pl.ds(s * RPT, RPT)])

    @pl.when(s == NS - 1)
    def _():
        pltpu.sync_copy(acc.at[pl.ds((NS - 1) * RPT, RPT_LAST)],
                        out_hbm.at[c, pl.ds((NS - 1) * RPT, RPT_LAST)])


_sc_scatter = functools.partial(
    pl.kernel,
    out_type=jax.ShapeDtypeStruct((NC, M, D), jnp.float32),
    mesh=plsc.VectorSubcoreMesh(core_axis_name="c", subcore_axis_name="s"),
    scratch_types=[
        [pltpu.VMEM((CH, D), jnp.float32)] * NBUF,
        [pltpu.VMEM((CH,), jnp.int32)] * NBUF,
        pltpu.VMEM_SHARED((M, D), jnp.float32),
        [pltpu.SemaphoreType.DMA] * NBUF,
        [pltpu.SemaphoreType.DMA] * NBUF,
        [pltpu.SemaphoreType.DMA] * NBUF,
    ],
)(_sc_body)


def _add_body(parts_ref, o_ref):
    o_ref[...] = parts_ref[0] + parts_ref[1]


_ROWS_BLK = 1000


def _combine(parts):
    return pl.pallas_call(
        _add_body,
        grid=(M // _ROWS_BLK,),
        in_specs=[pl.BlockSpec((NC, _ROWS_BLK, D), lambda g: (0, g, 0))],
        out_specs=pl.BlockSpec((_ROWS_BLK, D), lambda g: (g, 0)),
        out_shape=jax.ShapeDtypeStruct((M, D), jnp.float32),
    )(parts)


@jax.jit
def kernel(i, idx_i, p):
    idx32 = idx_i.astype(jnp.int32)
    parts = _sc_scatter(i, idx32, p)
    return _combine(parts)

# --- scband reference (transcript-rebuilt; emitter-appended) ---
"""Pipeline reference for scband-iplayer-70815420776689 (READ-ONLY COPY).

The authoritative reference and input builder live on the scoring server;
editing this copy changes nothing except your own understanding.
"""

import jax, jax.numpy as jnp
import numpy as np


def setup_inputs(seed: int = 0) -> dict:
    key = jax.random.key(seed)
    k1, k2 = jax.random.split(key)
    i = jax.random.normal(k1, (320000, 128), dtype=jnp.float32)
    idx_i = jnp.sort(jax.random.randint(k2, (320000,), 0, 10000, dtype=jnp.int64))
    p = jnp.zeros((10000, 128), dtype=jnp.float32)
    return {"i": i, "idx_i": idx_i, "p": p}


def reference(i, idx_i, p):
    # IPLayer.forward: p = scatter_add(i, idx_i, dim=0, dim_size=p.shape[0])
    maxm = p.shape[0]
    out = jnp.zeros((maxm,) + i.shape[1:], dtype=i.dtype).at[idx_i].add(i)
    return out

if __name__ == "__main__":
    import jax
    _d = setup_inputs()
    print(jax.jit(kernel)(*tuple(_d.values())))

</pallas_src>

<mosaic_0001>
#map = affine_map<(d0, d1) -> (0, 0)>
#map1 = affine_map<(d0, d1) -> (0)>
#map2 = affine_map<(d0, d1) -> (0, 0, 0)>
module attributes {stable_mosaic.version = 14 : i64} {
  func.func @_sc_body(%arg0: i32, %arg1: i32, %arg2: memref<320000x128xf32, #tpu.memory_space<hbm>>, %arg3: memref<320000xi32, #tpu.memory_space<hbm>>, %arg4: memref<10000x128xf32, #tpu.memory_space<hbm>>, %arg5: memref<2x10000x128xf32, #tpu.memory_space<hbm>>, %arg6: memref<80x128xf32, #tpu.memory_space<vmem>>, %arg7: memref<80x128xf32, #tpu.memory_space<vmem>>, %arg8: memref<80x128xf32, #tpu.memory_space<vmem>>, %arg9: memref<80x128xf32, #tpu.memory_space<vmem>>, %arg10: memref<80xi32, #tpu.memory_space<vmem>>, %arg11: memref<80xi32, #tpu.memory_space<vmem>>, %arg12: memref<80xi32, #tpu.memory_space<vmem>>, %arg13: memref<80xi32, #tpu.memory_space<vmem>>, %arg14: memref<10000x128xf32, #tpu.memory_space<vmem_shared>>, %arg15: memref<!tpu.dma_semaphore, #tpu.memory_space<semaphore_mem>>, %arg16: memref<!tpu.dma_semaphore, #tpu.memory_space<semaphore_mem>>, %arg17: memref<!tpu.dma_semaphore, #tpu.memory_space<semaphore_mem>>, %arg18: memref<!tpu.dma_semaphore, #tpu.memory_space<semaphore_mem>>, %arg19: memref<!tpu.dma_semaphore, #tpu.memory_space<semaphore_mem>>, %arg20: memref<!tpu.dma_semaphore, #tpu.memory_space<semaphore_mem>>, %arg21: memref<!tpu.dma_semaphore, #tpu.memory_space<semaphore_mem>>, %arg22: memref<!tpu.dma_semaphore, #tpu.memory_space<semaphore_mem>>, %arg23: memref<!tpu.dma_semaphore, #tpu.memory_space<semaphore_mem>>, %arg24: memref<!tpu.dma_semaphore, #tpu.memory_space<semaphore_mem>>, %arg25: memref<!tpu.dma_semaphore, #tpu.memory_space<semaphore_mem>>, %arg26: memref<!tpu.dma_semaphore, #tpu.memory_space<semaphore_mem>>) attributes {dimension_semantics = [#tpu.dimension_semantics<core_parallel>, #tpu.dimension_semantics<subcore_parallel>], iteration_bounds = array<i64: 2, 16>, scalar_prefetch = 0 : i64, scratch_operands = 21 : i64, tpu.core_type = #tpu.core_type<sc_vector_subcore>, window_params = [{transform_indices = #map}, {transform_indices = #map1}, {transform_indices = #map}, {transform_indices = #map2}]} {
    %mul3A = arith.constant 2 : i32
    %mul3A_0 = arith.muli %arg1, %mul3A : i32
    %add3A = arith.addi %mul3A_0, %arg0 : i32
    %mul3A_1 = arith.constant 10000 : i32
    %mul3A_2 = arith.muli %add3A, %mul3A_1 : i32
    %lt3A = arith.constant 15 : i32
    %lt3A_3 = arith.cmpi slt, %arg1, %lt3A : i32
    %convert_element_type3A = arith.extui %lt3A_3 : i1 to i32
    %cond3A = arith.constant 0 : i32
    %cond3A_4 = arith.cmpi ne, %convert_element_type3A, %cond3A : i32
    scf.if %cond3A_4 {
      %mul3A_256 = arith.constant 632 : i32
      %mul3A_257 = arith.muli %arg1, %mul3A_256 : i32
      %mul3A_258 = arith.constant 632 : i32
      %mul3A_259 = arith.muli %arg1, %mul3A_258 : i32
      "tpu.region"() ({
        %run_scoped3A = tpu.sem_alloc : memref<!tpu.dma_semaphore, #tpu.memory_space<semaphore_mem>>
        %dma_start3A_260 = arith.constant 0 : i32
        %dma_start3A_261 = tpu.memref_slice %arg14[%mul3A_259, %dma_start3A_260] : memref<10000x128xf32, #tpu.memory_space<vmem_shared>> -> memref<632x128xf32, #tpu.memory_space<vmem_shared>>
        %dma_start3A_262 = arith.constant 0 : i32
        %dma_start3A_263 = tpu.memref_slice %arg4[%mul3A_257, %dma_start3A_262] : memref<10000x128xf32, #tpu.memory_space<hbm>> -> memref<632x128xf32, #tpu.memory_space<hbm>>
        tpu.enqueue_dma source(%dma_start3A_263 : memref<632x128xf32, #tpu.memory_space<hbm>>) target(%dma_start3A_261 : memref<632x128xf32, #tpu.memory_space<vmem_shared>>) target_semaphore(%run_scoped3A : memref<!tpu.dma_semaphore, #tpu.memory_space<semaphore_mem>>)
        %dma_wait3A_264 = arith.constant 0 : i32
        %dma_wait3A_265 = tpu.memref_slice %arg14[%mul3A_259, %dma_wait3A_264] : memref<10000x128xf32, #tpu.memory_space<vmem_shared>> -> memref<632x128xf32, #tpu.memory_space<vmem_shared>>
        %dma_wait3A_266 = arith.constant 0 : i32
        %dma_wait3A_267 = tpu.memref_slice %arg4[%mul3A_257, %dma_wait3A_266] : memref<10000x128xf32, #tpu.memory_space<hbm>> -> memref<632x128xf32, #tpu.memory_space<hbm>>
        tpu.wait_dma2 semaphore(%run_scoped3A : memref<!tpu.dma_semaphore, #tpu.memory_space<semaphore_mem>>) src(%dma_wait3A_267 : memref<632x128xf32, #tpu.memory_space<hbm>>) dst(%dma_wait3A_265 : memref<632x128xf32, #tpu.memory_space<vmem_shared>>)
        tpu.yield
      }) : () -> ()
    } else {
    }
    %eq3A = arith.constant 15 : i32
    %eq3A_5 = arith.cmpi eq, %arg1, %eq3A : i32
    %convert_element_type3A_6 = arith.extui %eq3A_5 : i1 to i32
    %cond3A_7 = arith.constant 0 : i32
    %cond3A_8 = arith.cmpi ne, %convert_element_type3A_6, %cond3A_7 : i32
    scf.if %cond3A_8 {
      "tpu.region"() ({
        %run_scoped3A = tpu.sem_alloc : memref<!tpu.dma_semaphore, #tpu.memory_space<semaphore_mem>>
        %dma_start3A_256 = arith.constant 9480 : i32
        %dma_start3A_257 = arith.constant 0 : i32
        %dma_start3A_258 = tpu.memref_slice %arg14[%dma_start3A_256, %dma_start3A_257] : memref<10000x128xf32, #tpu.memory_space<vmem_shared>> -> memref<520x128xf32, #tpu.memory_space<vmem_shared>>
        %dma_start3A_259 = arith.constant 9480 : i32
        %dma_start3A_260 = arith.constant 0 : i32
        %dma_start3A_261 = tpu.memref_slice %arg4[%dma_start3A_259, %dma_start3A_260] : memref<10000x128xf32, #tpu.memory_space<hbm>> -> memref<520x128xf32, #tpu.memory_space<hbm>>
        tpu.enqueue_dma source(%dma_start3A_261 : memref<520x128xf32, #tpu.memory_space<hbm>>) target(%dma_start3A_258 : memref<520x128xf32, #tpu.memory_space<vmem_shared>>) target_semaphore(%run_scoped3A : memref<!tpu.dma_semaphore, #tpu.memory_space<semaphore_mem>>)
        %dma_wait3A_262 = arith.constant 9480 : i32
        %dma_wait3A_263 = arith.constant 0 : i32
        %dma_wait3A_264 = tpu.memref_slice %arg14[%dma_wait3A_262, %dma_wait3A_263] : memref<10000x128xf32, #tpu.memory_space<vmem_shared>> -> memref<520x128xf32, #tpu.memory_space<vmem_shared>>
        %dma_wait3A_265 = arith.constant 9480 : i32
        %dma_wait3A_266 = arith.constant 0 : i32
        %dma_wait3A_267 = tpu.memref_slice %arg4[%dma_wait3A_265, %dma_wait3A_266] : memref<10000x128xf32, #tpu.memory_space<hbm>> -> memref<520x128xf32, #tpu.memory_space<hbm>>
        tpu.wait_dma2 semaphore(%run_scoped3A : memref<!tpu.dma_semaphore, #tpu.memory_space<semaphore_mem>>) src(%dma_wait3A_267 : memref<520x128xf32, #tpu.memory_space<hbm>>) dst(%dma_wait3A_264 : memref<520x128xf32, #tpu.memory_space<vmem_shared>>)
        tpu.yield
      }) : () -> ()
    } else {
    }
    %barrier3A = arith.constant 0 : index
    tpu.barrier barrier_id(%barrier3A)
    %add3A_9 = arith.constant 0 : i32
    %add3A_10 = arith.addi %mul3A_2, %add3A_9 : i32
    %dma_start3A = arith.constant 0 : i32
    %dma_start3A_11 = tpu.memref_slice %arg2[%add3A_10, %dma_start3A] : memref<320000x128xf32, #tpu.memory_space<hbm>> -> memref<80x128xf32, #tpu.memory_space<hbm>>
    %dma_start3A_12 = arith.constant 0 : i32
    %dma_start3A_13 = tpu.memref_slice %arg2[%add3A_10, %dma_start3A_12] : memref<320000x128xf32, #tpu.memory_space<hbm>> -> memref<80x128xf32, #tpu.memory_space<hbm>>
    tpu.enqueue_dma source(%dma_start3A_13 : memref<80x128xf32, #tpu.memory_space<hbm>>) target(%arg6 : memref<80x128xf32, #tpu.memory_space<vmem>>) target_semaphore(%arg15 : memref<!tpu.dma_semaphore, #tpu.memory_space<semaphore_mem>>)
    %add3A_14 = arith.constant 0 : i32
    %add3A_15 = arith.addi %mul3A_2, %add3A_14 : i32
    %dma_start3A_16 = tpu.memref_slice %arg3[%add3A_15] : memref<320000xi32, #tpu.memory_space<hbm>> -> memref<80xi32, #tpu.memory_space<hbm>>
    %dma_start3A_17 = tpu.memref_slice %arg3[%add3A_15] : memref<320000xi32, #tpu.memory_space<hbm>> -> memref<80xi32, #tpu.memory_space<hbm>>
    tpu.enqueue_dma source(%dma_start3A_17 : memref<80xi32, #tpu.memory_space<hbm>>) target(%arg10 : memref<80xi32, #tpu.memory_space<vmem>>) target_semaphore(%arg19 : memref<!tpu.dma_semaphore, #tpu.memory_space<semaphore_mem>>)
    %add3A_18 = arith.constant 80 : i32
    %add3A_19 = arith.addi %mul3A_2, %add3A_18 : i32
    %dma_start3A_20 = arith.constant 0 : i32
    %dma_start3A_21 = tpu.memref_slice %arg2[%add3A_19, %dma_start3A_20] : memref<320000x128xf32, #tpu.memory_space<hbm>> -> memref<80x128xf32, #tpu.memory_space<hbm>>
    %dma_start3A_22 = arith.constant 0 : i32
    %dma_start3A_23 = tpu.memref_slice %arg2[%add3A_19, %dma_start3A_22] : memref<320000x128xf32, #tpu.memory_space<hbm>> -> memref<80x128xf32, #tpu.memory_space<hbm>>
    tpu.enqueue_dma source(%dma_start3A_23 : memref<80x128xf32, #tpu.memory_space<hbm>>) target(%arg7 : memref<80x128xf32, #tpu.memory_space<vmem>>) target_semaphore(%arg16 : memref<!tpu.dma_semaphore, #tpu.memory_space<semaphore_mem>>)
    %add3A_24 = arith.constant 80 : i32
    %add3A_25 = arith.addi %mul3A_2, %add3A_24 : i32
    %dma_start3A_26 = tpu.memref_slice %arg3[%add3A_25] : memref<320000xi32, #tpu.memory_space<hbm>> -> memref<80xi32, #tpu.memory_space<hbm>>
    %dma_start3A_27 = tpu.memref_slice %arg3[%add3A_25] : memref<320000xi32, #tpu.memory_space<hbm>> -> memref<80xi32, #tpu.memory_space<hbm>>
    tpu.enqueue_dma source(%dma_start3A_27 : memref<80xi32, #tpu.memory_space<hbm>>) target(%arg11 : memref<80xi32, #tpu.memory_space<vmem>>) target_semaphore(%arg20 : memref<!tpu.dma_semaphore, #tpu.memory_space<semaphore_mem>>)
    %dma_wait3A = arith.constant 0 : i32
    %dma_wait3A_28 = arith.constant 0 : i32
    %dma_wait3A_29 = tpu.memref_slice %arg2[%dma_wait3A, %dma_wait3A_28] : memref<320000x128xf32, #tpu.memory_space<hbm>> -> memref<80x128xf32, #tpu.memory_space<hbm>>
    %dma_wait3A_30 = arith.constant 0 : i32
    %dma_wait3A_31 = arith.constant 0 : i32
    %dma_wait3A_32 = tpu.memref_slice %arg2[%dma_wait3A_30, %dma_wait3A_31] : memref<320000x128xf32, #tpu.memory_space<hbm>> -> memref<80x128xf32, #tpu.memory_space<hbm>>
    tpu.wait_dma2 semaphore(%arg15 : memref<!tpu.dma_semaphore, #tpu.memory_space<semaphore_mem>>) src(%dma_wait3A_32 : memref<80x128xf32, #tpu.memory_space<hbm>>) dst(%arg6 : memref<80x128xf32, #tpu.memory_space<vmem>>)
    %dma_wait3A_33 = arith.constant 0 : i32
    %dma_wait3A_34 = tpu.memref_slice %arg3[%dma_wait3A_33] : memref<320000xi32, #tpu.memory_space<hbm>> -> memref<80xi32, #tpu.memory_space<hbm>>
    %dma_wait3A_35 = arith.constant 0 : i32
    %dma_wait3A_36 = tpu.memref_slice %arg3[%dma_wait3A_35] : memref<320000xi32, #tpu.memory_space<hbm>> -> memref<80xi32, #tpu.memory_space<hbm>>
    tpu.wait_dma2 semaphore(%arg19 : memref<!tpu.dma_semaphore, #tpu.memory_space<semaphore_mem>>) src(%dma_wait3A_36 : memref<80xi32, #tpu.memory_space<hbm>>) dst(%arg10 : memref<80xi32, #tpu.memory_space<vmem>>)
    %dma_start3A_37 = arith.constant 0 : i32
    %dma_start3A_38 = arith.constant 0 : i32
    %dma_start3A_39 = tpu.memref_slice %arg14[%dma_start3A_37, %dma_start3A_38] : memref<10000x128xf32, #tpu.memory_space<vmem_shared>> -> memref<10000x128xf32, #tpu.memory_space<vmem_shared>>
    tpu.enqueue_indirect_dma source(%arg6 : memref<80x128xf32, #tpu.memory_space<vmem>>) target(%dma_start3A_39 : memref<10000x128xf32, #tpu.memory_space<vmem_shared>>) offsets(%arg10 : memref<80xi32, #tpu.memory_space<vmem>>) semaphore(%arg23 : memref<!tpu.dma_semaphore, #tpu.memory_space<semaphore_mem>>) {add = true}
    %add3A_40 = arith.constant 160 : i32
    %add3A_41 = arith.addi %mul3A_2, %add3A_40 : i32
    %dma_start3A_42 = arith.constant 0 : i32
    %dma_start3A_43 = tpu.memref_slice %arg2[%add3A_41, %dma_start3A_42] : memref<320000x128xf32, #tpu.memory_space<hbm>> -> memref<80x128xf32, #tpu.memory_space<hbm>>
    %dma_start3A_44 = arith.constant 0 : i32
    %dma_start3A_45 = tpu.memref_slice %arg2[%add3A_41, %dma_start3A_44] : memref<320000x128xf32, #tpu.memory_space<hbm>> -> memref<80x128xf32, #tpu.memory_space<hbm>>
    tpu.enqueue_dma source(%dma_start3A_45 : memref<80x128xf32, #tpu.memory_space<hbm>>) target(%arg8 : memref<80x128xf32, #tpu.memory_space<vmem>>) target_semaphore(%arg17 : memref<!tpu.dma_semaphore, #tpu.memory_space<semaphore_mem>>)
    %add3A_46 = arith.constant 160 : i32
    %add3A_47 = arith.addi %mul3A_2, %add3A_46 : i32
    %dma_start3A_48 = tpu.memref_slice %arg3[%add3A_47] : memref<320000xi32, #tpu.memory_space<hbm>> -> memref<80xi32, #tpu.memory_space<hbm>>
    %dma_start3A_49 = tpu.memref_slice %arg3[%add3A_47] : memref<320000xi32, #tpu.memory_space<hbm>> -> memref<80xi32, #tpu.memory_space<hbm>>
    tpu.enqueue_dma source(%dma_start3A_49 : memref<80xi32, #tpu.memory_space<hbm>>) target(%arg12 : memref<80xi32, #tpu.memory_space<vmem>>) target_semaphore(%arg21 : memref<!tpu.dma_semaphore, #tpu.memory_space<semaphore_mem>>)
    %dma_wait3A_50 = arith.constant 0 : i32
    %dma_wait3A_51 = arith.constant 0 : i32
    %dma_wait3A_52 = tpu.memref_slice %arg2[%dma_wait3A_50, %dma_wait3A_51] : memref<320000x128xf32, #tpu.memory_space<hbm>> -> memref<80x128xf32, #tpu.memory_space<hbm>>
    %dma_wait3A_53 = arith.constant 0 : i32
    %dma_wait3A_54 = arith.constant 0 : i32
    %dma_wait3A_55 = tpu.memref_slice %arg2[%dma_wait3A_53, %dma_wait3A_54] : memref<320000x128xf32, #tpu.memory_space<hbm>> -> memref<80x128xf32, #tpu.memory_space<hbm>>
    tpu.wait_dma2 semaphore(%arg16 : memref<!tpu.dma_semaphore, #tpu.memory_space<semaphore_mem>>) src(%dma_wait3A_55 : memref<80x128xf32, #tpu.memory_space<hbm>>) dst(%arg7 : memref<80x128xf32, #tpu.memory_space<vmem>>)
    %dma_wait3A_56 = arith.constant 0 : i32
    %dma_wait3A_57 = tpu.memref_slice %arg3[%dma_wait3A_56] : memref<320000xi32, #tpu.memory_space<hbm>> -> memref<80xi32, #tpu.memory_space<hbm>>
    %dma_wait3A_58 = arith.constant 0 : i32
    %dma_wait3A_59 = tpu.memref_slice %arg3[%dma_wait3A_58] : memref<320000xi32, #tpu.memory_space<hbm>> -> memref<80xi32, #tpu.memory_space<hbm>>
    tpu.wait_dma2 semaphore(%arg20 : memref<!tpu.dma_semaphore, #tpu.memory_space<semaphore_mem>>) src(%dma_wait3A_59 : memref<80xi32, #tpu.memory_space<hbm>>) dst(%arg11 : memref<80xi32, #tpu.memory_space<vmem>>)
    %dma_start3A_60 = arith.constant 0 : i32
    %dma_start3A_61 = arith.constant 0 : i32
    %dma_start3A_62 = tpu.memref_slice %arg14[%dma_start3A_60, %dma_start3A_61] : memref<10000x128xf32, #tpu.memory_space<vmem_shared>> -> memref<10000x128xf32, #tpu.memory_space<vmem_shared>>
    tpu.enqueue_indirect_dma source(%arg7 : memref<80x128xf32, #tpu.memory_space<vmem>>) target(%dma_start3A_62 : memref<10000x128xf32, #tpu.memory_space<vmem_shared>>) offsets(%arg11 : memref<80xi32, #tpu.memory_space<vmem>>) semaphore(%arg24 : memref<!tpu.dma_semaphore, #tpu.memory_space<semaphore_mem>>) {add = true}
    %add3A_63 = arith.constant 240 : i32
    %add3A_64 = arith.addi %mul3A_2, %add3A_63 : i32
    %dma_start3A_65 = arith.constant 0 : i32
    %dma_start3A_66 = tpu.memref_slice %arg2[%add3A_64, %dma_start3A_65] : memref<320000x128xf32, #tpu.memory_space<hbm>> -> memref<80x128xf32, #tpu.memory_space<hbm>>
    %dma_start3A_67 = arith.constant 0 : i32
    %dma_start3A_68 = tpu.memref_slice %arg2[%add3A_64, %dma_start3A_67] : memref<320000x128xf32, #tpu.memory_space<hbm>> -> memref<80x128xf32, #tpu.memory_space<hbm>>
    tpu.enqueue_dma source(%dma_start3A_68 : memref<80x128xf32, #tpu.memory_space<hbm>>) target(%arg9 : memref<80x128xf32, #tpu.memory_space<vmem>>) target_semaphore(%arg18 : memref<!tpu.dma_semaphore, #tpu.memory_space<semaphore_mem>>)
    %add3A_69 = arith.constant 240 : i32
    %add3A_70 = arith.addi %mul3A_2, %add3A_69 : i32
    %dma_start3A_71 = tpu.memref_slice %arg3[%add3A_70] : memref<320000xi32, #tpu.memory_space<hbm>> -> memref<80xi32, #tpu.memory_space<hbm>>
    %dma_start3A_72 = tpu.memref_slice %arg3[%add3A_70] : memref<320000xi32, #tpu.memory_space<hbm>> -> memref<80xi32, #tpu.memory_space<hbm>>
    tpu.enqueue_dma source(%dma_start3A_72 : memref<80xi32, #tpu.memory_space<hbm>>) target(%arg13 : memref<80xi32, #tpu.memory_space<vmem>>) target_semaphore(%arg22 : memref<!tpu.dma_semaphore, #tpu.memory_space<semaphore_mem>>)
    %dma_wait3A_73 = arith.constant 0 : i32
    %dma_wait3A_74 = arith.constant 0 : i32
    %dma_wait3A_75 = tpu.memref_slice %arg2[%dma_wait3A_73, %dma_wait3A_74] : memref<320000x128xf32, #tpu.memory_space<hbm>> -> memref<80x128xf32, #tpu.memory_space<hbm>>
    %dma_wait3A_76 = arith.constant 0 : i32
    %dma_wait3A_77 = arith.constant 0 : i32
    %dma_wait3A_78 = tpu.memref_slice %arg2[%dma_wait3A_76, %dma_wait3A_77] : memref<320000x128xf32, #tpu.memory_space<hbm>> -> memref<80x128xf32, #tpu.memory_space<hbm>>
    tpu.wait_dma2 semaphore(%arg17 : memref<!tpu.dma_semaphore, #tpu.memory_space<semaphore_mem>>) src(%dma_wait3A_78 : memref<80x128xf32, #tpu.memory_space<hbm>>) dst(%arg8 : memref<80x128xf32, #tpu.memory_space<vmem>>)
    %dma_wait3A_79 = arith.constant 0 : i32
    %dma_wait3A_80 = tpu.memref_slice %arg3[%dma_wait3A_79] : memref<320000xi32, #tpu.memory_space<hbm>> -> memref<80xi32, #tpu.memory_space<hbm>>
    %dma_wait3A_81 = arith.constant 0 : i32
    %dma_wait3A_82 = tpu.memref_slice %arg3[%dma_wait3A_81] : memref<320000xi32, #tpu.memory_space<hbm>> -> memref<80xi32, #tpu.memory_space<hbm>>
    tpu.wait_dma2 semaphore(%arg21 : memref<!tpu.dma_semaphore, #tpu.memory_space<semaphore_mem>>) src(%dma_wait3A_82 : memref<80xi32, #tpu.memory_space<hbm>>) dst(%arg12 : memref<80xi32, #tpu.memory_space<vmem>>)
    %dma_start3A_83 = arith.constant 0 : i32
    %dma_start3A_84 = arith.constant 0 : i32
    %dma_start3A_85 = tpu.memref_slice %arg14[%dma_start3A_83, %dma_start3A_84] : memref<10000x128xf32, #tpu.memory_space<vmem_shared>> -> memref<10000x128xf32, #tpu.memory_space<vmem_shared>>
    tpu.enqueue_indirect_dma source(%arg8 : memref<80x128xf32, #tpu.memory_space<vmem>>) target(%dma_start3A_85 : memref<10000x128xf32, #tpu.memory_space<vmem_shared>>) offsets(%arg12 : memref<80xi32, #tpu.memory_space<vmem>>) semaphore(%arg25 : memref<!tpu.dma_semaphore, #tpu.memory_space<semaphore_mem>>) {add = true}
    %dma_wait3A_86 = arith.constant 0 : i32
    %dma_wait3A_87 = arith.constant 0 : i32
    %dma_wait3A_88 = tpu.memref_slice %arg14[%dma_wait3A_86, %dma_wait3A_87] : memref<10000x128xf32, #tpu.memory_space<vmem_shared>> -> memref<10000x128xf32, #tpu.memory_space<vmem_shared>>
    tpu.wait_indirect_dma semaphore(%arg23 : memref<!tpu.dma_semaphore, #tpu.memory_space<semaphore_mem>>) src(%arg6 : memref<80x128xf32, #tpu.memory_space<vmem>>) dst(%dma_wait3A_88 : memref<10000x128xf32, #tpu.memory_space<vmem_shared>>)
    %add3A_89 = arith.constant 320 : i32
    %add3A_90 = arith.addi %mul3A_2, %add3A_89 : i32
    %dma_start3A_91 = arith.constant 0 : i32
    %dma_start3A_92 = tpu.memref_slice %arg2[%add3A_90, %dma_start3A_91] : memref<320000x128xf32, #tpu.memory_space<hbm>> -> memref<80x128xf32, #tpu.memory_space<hbm>>
    %dma_start3A_93 = arith.constant 0 : i32
    %dma_start3A_94 = tpu.memref_slice %arg2[%add3A_90, %dma_start3A_93] : memref<320000x128xf32, #tpu.memory_space<hbm>> -> memref<80x128xf32, #tpu.memory_space<hbm>>
    tpu.enqueue_dma source(%dma_start3A_94 : memref<80x128xf32, #tpu.memory_space<hbm>>) target(%arg6 : memref<80x128xf32, #tpu.memory_space<vmem>>) target_semaphore(%arg15 : memref<!tpu.dma_semaphore, #tpu.memory_space<semaphore_mem>>)
    %add3A_95 = arith.constant 320 : i32
    %add3A_96 = arith.addi %mul3A_2, %add3A_95 : i32
    %dma_start3A_97 = tpu.memref_slice %arg3[%add3A_96] : memref<320000xi32, #tpu.memory_space<hbm>> -> memref<80xi32, #tpu.memory_space<hbm>>
    %dma_start3A_98 = tpu.memref_slice %arg3[%add3A_96] : memref<320000xi32, #tpu.memory_space<hbm>> -> memref<80xi32, #tpu.memory_space<hbm>>
    tpu.enqueue_dma source(%dma_start3A_98 : memref<80xi32, #tpu.memory_space<hbm>>) target(%arg10 : memref<80xi32, #tpu.memory_space<vmem>>) target_semaphore(%arg19 : memref<!tpu.dma_semaphore, #tpu.memory_space<semaphore_mem>>)
    %dma_wait3A_99 = arith.constant 0 : i32
    %dma_wait3A_100 = arith.constant 0 : i32
    %dma_wait3A_101 = tpu.memref_slice %arg2[%dma_wait3A_99, %dma_wait3A_100] : memref<320000x128xf32, #tpu.memory_space<hbm>> -> memref<80x128xf32, #tpu.memory_space<hbm>>
    %dma_wait3A_102 = arith.constant 0 : i32
    %dma_wait3A_103 = arith.constant 0 : i32
    %dma_wait3A_104 = tpu.memref_slice %arg2[%dma_wait3A_102, %dma_wait3A_103] : memref<320000x128xf32, #tpu.memory_space<hbm>> -> memref<80x128xf32, #tpu.memory_space<hbm>>
    tpu.wait_dma2 semaphore(%arg18 : memref<!tpu.dma_semaphore, #tpu.memory_space<semaphore_mem>>) src(%dma_wait3A_104 : memref<80x128xf32, #tpu.memory_space<hbm>>) dst(%arg9 : memref<80x128xf32, #tpu.memory_space<vmem>>)
    %dma_wait3A_105 = arith.constant 0 : i32
    %dma_wait3A_106 = tpu.memref_slice %arg3[%dma_wait3A_105] : memref<320000xi32, #tpu.memory_space<hbm>> -> memref<80xi32, #tpu.memory_space<hbm>>
    %dma_wait3A_107 = arith.constant 0 : i32
    %dma_wait3A_108 = tpu.memref_slice %arg3[%dma_wait3A_107] : memref<320000xi32, #tpu.memory_space<hbm>> -> memref<80xi32, #tpu.memory_space<hbm>>
    tpu.wait_dma2 semaphore(%arg22 : memref<!tpu.dma_semaphore, #tpu.memory_space<semaphore_mem>>) src(%dma_wait3A_108 : memref<80xi32, #tpu.memory_space<hbm>>) dst(%arg13 : memref<80xi32, #tpu.memory_space<vmem>>)
    %dma_start3A_109 = arith.constant 0 : i32
    %dma_start3A_110 = arith.constant 0 : i32
    %dma_start3A_111 = tpu.memref_slice %arg14[%dma_start3A_109, %dma_start3A_110] : memref<10000x128xf32, #tpu.memory_space<vmem_shared>> -> memref<10000x128xf32, #tpu.memory_space<vmem_shared>>
    tpu.enqueue_indirect_dma source(%arg9 : memref<80x128xf32, #tpu.memory_space<vmem>>) target(%dma_start3A_111 : memref<10000x128xf32, #tpu.memory_space<vmem_shared>>) offsets(%arg13 : memref<80xi32, #tpu.memory_space<vmem>>) semaphore(%arg26 : memref<!tpu.dma_semaphore, #tpu.memory_space<semaphore_mem>>) {add = true}
    %dma_wait3A_112 = arith.constant 0 : i32
    %dma_wait3A_113 = arith.constant 0 : i32
    %dma_wait3A_114 = tpu.memref_slice %arg14[%dma_wait3A_112, %dma_wait3A_113] : memref<10000x128xf32, #tpu.memory_space<vmem_shared>> -> memref<10000x128xf32, #tpu.memory_space<vmem_shared>>
    tpu.wait_indirect_dma semaphore(%arg24 : memref<!tpu.dma_semaphore, #tpu.memory_space<semaphore_mem>>) src(%arg7 : memref<80x128xf32, #tpu.memory_space<vmem>>) dst(%dma_wait3A_114 : memref<10000x128xf32, #tpu.memory_space<vmem_shared>>)
    %add3A_115 = arith.constant 400 : i32
    %add3A_116 = arith.addi %mul3A_2, %add3A_115 : i32
    %dma_start3A_117 = arith.constant 0 : i32
    %dma_start3A_118 = tpu.memref_slice %arg2[%add3A_116, %dma_start3A_117] : memref<320000x128xf32, #tpu.memory_space<hbm>> -> memref<80x128xf32, #tpu.memory_space<hbm>>
    %dma_start3A_119 = arith.constant 0 : i32
    %dma_start3A_120 = tpu.memref_slice %arg2[%add3A_116, %dma_start3A_119] : memref<320000x128xf32, #tpu.memory_space<hbm>> -> memref<80x128xf32, #tpu.memory_space<hbm>>
    tpu.enqueue_dma source(%dma_start3A_120 : memref<80x128xf32, #tpu.memory_space<hbm>>) target(%arg7 : memref<80x128xf32, #tpu.memory_space<vmem>>) target_semaphore(%arg16 : memref<!tpu.dma_semaphore, #tpu.memory_space<semaphore_mem>>)
    %add3A_121 = arith.constant 400 : i32
    %add3A_122 = arith.addi %mul3A_2, %add3A_121 : i32
    %dma_start3A_123 = tpu.memref_slice %arg3[%add3A_122] : memref<320000xi32, #tpu.memory_space<hbm>> -> memref<80xi32, #tpu.memory_space<hbm>>
    %dma_start3A_124 = tpu.memref_slice %arg3[%add3A_122] : memref<320000xi32, #tpu.memory_space<hbm>> -> memref<80xi32, #tpu.memory_space<hbm>>
    tpu.enqueue_dma source(%dma_start3A_124 : memref<80xi32, #tpu.memory_space<hbm>>) target(%arg11 : memref<80xi32, #tpu.memory_space<vmem>>) target_semaphore(%arg20 : memref<!tpu.dma_semaphore, #tpu.memory_space<semaphore_mem>>)
    %scan3A = arith.constant 0 : i32
    %scan3A_125 = arith.constant 29 : i32
    %scan3A_126 = arith.addi %scan3A, %scan3A_125 : i32
    %scan3A_127 = arith.constant 1 : i32
    scf.for %scan3A_256 = %scan3A to %scan3A_126 step %scan3A_127  : i32 {
      %mul3A_257 = arith.constant 1 : i32
      %mul3A_258 = arith.muli %scan3A_256, %mul3A_257 : i32
      %add3A_259 = arith.constant 1 : i32
      %add3A_260 = arith.addi %add3A_259, %mul3A_258 : i32
      %mul3A_261 = arith.constant 4 : i32
      %mul3A_262 = arith.muli %mul3A_261, %add3A_260 : i32
      %add3A_263 = arith.constant 0 : i32
      %add3A_264 = arith.addi %mul3A_262, %add3A_263 : i32
      %dma_wait3A_265 = arith.constant 0 : i32
      %dma_wait3A_266 = arith.constant 0 : i32
      %dma_wait3A_267 = tpu.memref_slice %arg2[%dma_wait3A_265, %dma_wait3A_266] : memref<320000x128xf32, #tpu.memory_space<hbm>> -> memref<80x128xf32, #tpu.memory_space<hbm>>
      %dma_wait3A_268 = arith.constant 0 : i32
      %dma_wait3A_269 = arith.constant 0 : i32
      %dma_wait3A_270 = tpu.memref_slice %arg2[%dma_wait3A_268, %dma_wait3A_269] : memref<320000x128xf32, #tpu.memory_space<hbm>> -> memref<80x128xf32, #tpu.memory_space<hbm>>
      tpu.wait_dma2 semaphore(%arg15 : memref<!tpu.dma_semaphore, #tpu.memory_space<semaphore_mem>>) src(%dma_wait3A_270 : memref<80x128xf32, #tpu.memory_space<hbm>>) dst(%arg6 : memref<80x128xf32, #tpu.memory_space<vmem>>)
      %dma_wait3A_271 = arith.constant 0 : i32
      %dma_wait3A_272 = tpu.memref_slice %arg3[%dma_wait3A_271] : memref<320000xi32, #tpu.memory_space<hbm>> -> memref<80xi32, #tpu.memory_space<hbm>>
      %dma_wait3A_273 = arith.constant 0 : i32
      %dma_wait3A_274 = tpu.memref_slice %arg3[%dma_wait3A_273] : memref<320000xi32, #tpu.memory_space<hbm>> -> memref<80xi32, #tpu.memory_space<hbm>>
      tpu.wait_dma2 semaphore(%arg19 : memref<!tpu.dma_semaphore, #tpu.memory_space<semaphore_mem>>) src(%dma_wait3A_274 : memref<80xi32, #tpu.memory_space<hbm>>) dst(%arg10 : memref<80xi32, #tpu.memory_space<vmem>>)
      %dma_start3A_275 = arith.constant 0 : i32
      %dma_start3A_276 = arith.constant 0 : i32
      %dma_start3A_277 = tpu.memref_slice %arg14[%dma_start3A_275, %dma_start3A_276] : memref<10000x128xf32, #tpu.memory_space<vmem_shared>> -> memref<10000x128xf32, #tpu.memory_space<vmem_shared>>
      tpu.enqueue_indirect_dma source(%arg6 : memref<80x128xf32, #tpu.memory_space<vmem>>) target(%dma_start3A_277 : memref<10000x128xf32, #tpu.memory_space<vmem_shared>>) offsets(%arg10 : memref<80xi32, #tpu.memory_space<vmem>>) semaphore(%arg23 : memref<!tpu.dma_semaphore, #tpu.memory_space<semaphore_mem>>) {add = true}
      %dma_wait3A_278 = arith.constant 0 : i32
      %dma_wait3A_279 = arith.constant 0 : i32
      %dma_wait3A_280 = tpu.memref_slice %arg14[%dma_wait3A_278, %dma_wait3A_279] : memref<10000x128xf32, #tpu.memory_space<vmem_shared>> -> memref<10000x128xf32, #tpu.memory_space<vmem_shared>>
      tpu.wait_indirect_dma semaphore(%arg25 : memref<!tpu.dma_semaphore, #tpu.memory_space<semaphore_mem>>) src(%arg8 : memref<80x128xf32, #tpu.memory_space<vmem>>) dst(%dma_wait3A_280 : memref<10000x128xf32, #tpu.memory_space<vmem_shared>>)
      %add3A_281 = arith.constant 2 : i32
      %add3A_282 = arith.addi %add3A_264, %add3A_281 : i32
      %mul3A_283 = arith.constant 80 : i32
      %mul3A_284 = arith.muli %add3A_282, %mul3A_283 : i32
      %add3A_285 = arith.addi %mul3A_2, %mul3A_284 : i32
      %dma_start3A_286 = arith.constant 0 : i32
      %dma_start3A_287 = tpu.memref_slice %arg2[%add3A_285, %dma_start3A_286] : memref<320000x128xf32, #tpu.memory_space<hbm>> -> memref<80x128xf32, #tpu.memory_space<hbm>>
      %dma_start3A_288 = arith.constant 0 : i32
      %dma_start3A_289 = tpu.memref_slice %arg2[%add3A_285, %dma_start3A_288] : memref<320000x128xf32, #tpu.memory_space<hbm>> -> memref<80x128xf32, #tpu.memory_space<hbm>>
      tpu.enqueue_dma source(%dma_start3A_289 : memref<80x128xf32, #tpu.memory_space<hbm>>) target(%arg8 : memref<80x128xf32, #tpu.memory_space<vmem>>) target_semaphore(%arg17 : memref<!tpu.dma_semaphore, #tpu.memory_space<semaphore_mem>>)
      %mul3A_290 = arith.constant 80 : i32
      %mul3A_291 = arith.muli %add3A_282, %mul3A_290 : i32
      %add3A_292 = arith.addi %mul3A_2, %mul3A_291 : i32
      %dma_start3A_293 = tpu.memref_slice %arg3[%add3A_292] : memref<320000xi32, #tpu.memory_space<hbm>> -> memref<80xi32, #tpu.memory_space<hbm>>
      %dma_start3A_294 = tpu.memref_slice %arg3[%add3A_292] : memref<320000xi32, #tpu.memory_space<hbm>> -> memref<80xi32, #tpu.memory_space<hbm>>
      tpu.enqueue_dma source(%dma_start3A_294 : memref<80xi32, #tpu.memory_space<hbm>>) target(%arg12 : memref<80xi32, #tpu.memory_space<vmem>>) target_semaphore(%arg21 : memref<!tpu.dma_semaphore, #tpu.memory_space<semaphore_mem>>)
      %mul3A_295 = arith.constant 4 : i32
      %mul3A_296 = arith.muli %mul3A_295, %add3A_260 : i32
      %add3A_297 = arith.constant 1 : i32
      %add3A_298 = arith.addi %mul3A_296, %add3A_297 : i32
      %dma_wait3A_299 = arith.constant 0 : i32
      %dma_wait3A_300 = arith.constant 0 : i32
      %dma_wait3A_301 = tpu.memref_slice %arg2[%dma_wait3A_299, %dma_wait3A_300] : memref<320000x128xf32, #tpu.memory_space<hbm>> -> memref<80x128xf32, #tpu.memory_space<hbm>>
      %dma_wait3A_302 = arith.constant 0 : i32
      %dma_wait3A_303 = arith.constant 0 : i32
      %dma_wait3A_304 = tpu.memref_slice %arg2[%dma_wait3A_302, %dma_wait3A_303] : memref<320000x128xf32, #tpu.memory_space<hbm>> -> memref<80x128xf32, #tpu.memory_space<hbm>>
      tpu.wait_dma2 semaphore(%arg16 : memref<!tpu.dma_semaphore, #tpu.memory_space<semaphore_mem>>) src(%dma_wait3A_304 : memref<80x128xf32, #tpu.memory_space<hbm>>) dst(%arg7 : memref<80x128xf32, #tpu.memory_space<vmem>>)
      %dma_wait3A_305 = arith.constant 0 : i32
      %dma_wait3A_306 = tpu.memref_slice %arg3[%dma_wait3A_305] : memref<320000xi32, #tpu.memory_space<hbm>> -> memref<80xi32, #tpu.memory_space<hbm>>
      %dma_wait3A_307 = arith.constant 0 : i32
      %dma_wait3A_308 = tpu.memref_slice %arg3[%dma_wait3A_307] : memref<320000xi32, #tpu.memory_space<hbm>> -> memref<80xi32, #tpu.memory_space<hbm>>
      tpu.wait_dma2 semaphore(%arg20 : memref<!tpu.dma_semaphore, #tpu.memory_space<semaphore_mem>>) src(%dma_wait3A_308 : memref<80xi32, #tpu.memory_space<hbm>>) dst(%arg11 : memref<80xi32, #tpu.memory_space<vmem>>)
      %dma_start3A_309 = arith.constant 0 : i32
      %dma_start3A_310 = arith.constant 0 : i32
      %dma_start3A_311 = tpu.memref_slice %arg14[%dma_start3A_309, %dma_start3A_310] : memref<10000x128xf32, #tpu.memory_space<vmem_shared>> -> memref<10000x128xf32, #tpu.memory_space<vmem_shared>>
      tpu.enqueue_indirect_dma source(%arg7 : memref<80x128xf32, #tpu.memory_space<vmem>>) target(%dma_start3A_311 : memref<10000x128xf32, #tpu.memory_space<vmem_shared>>) offsets(%arg11 : memref<80xi32, #tpu.memory_space<vmem>>) semaphore(%arg24 : memref<!tpu.dma_semaphore, #tpu.memory_space<semaphore_mem>>) {add = true}
      %dma_wait3A_312 = arith.constant 0 : i32
      %dma_wait3A_313 = arith.constant 0 : i32
      %dma_wait3A_314 = tpu.memref_slice %arg14[%dma_wait3A_312, %dma_wait3A_313] : memref<10000x128xf32, #tpu.memory_space<vmem_shared>> -> memref<10000x128xf32, #tpu.memory_space<vmem_shared>>
      tpu.wait_indirect_dma semaphore(%arg26 : memref<!tpu.dma_semaphore, #tpu.memory_space<semaphore_mem>>) src(%arg9 : memref<80x128xf32, #tpu.memory_space<vmem>>) dst(%dma_wait3A_314 : memref<10000x128xf32, #tpu.memory_space<vmem_shared>>)
      %add3A_315 = arith.constant 2 : i32
      %add3A_316 = arith.addi %add3A_298, %add3A_315 : i32
      %mul3A_317 = arith.constant 80 : i32
      %mul3A_318 = arith.muli %add3A_316, %mul3A_317 : i32
      %add3A_319 = arith.addi %mul3A_2, %mul3A_318 : i32
      %dma_start3A_320 = arith.constant 0 : i32
      %dma_start3A_321 = tpu.memref_slice %arg2[%add3A_319, %dma_start3A_320] : memref<320000x128xf32, #tpu.memory_space<hbm>> -> memref<80x128xf32, #tpu.memory_space<hbm>>
      %dma_start3A_322 = arith.constant 0 : i32
      %dma_start3A_323 = tpu.memref_slice %arg2[%add3A_319, %dma_start3A_322] : memref<320000x128xf32, #tpu.memory_space<hbm>> -> memref<80x128xf32, #tpu.memory_space<hbm>>
      tpu.enqueue_dma source(%dma_start3A_323 : memref<80x128xf32, #tpu.memory_space<hbm>>) target(%arg9 : memref<80x128xf32, #tpu.memory_space<vmem>>) target_semaphore(%arg18 : memref<!tpu.dma_semaphore, #tpu.memory_space<semaphore_mem>>)
      %mul3A_324 = arith.constant 80 : i32
      %mul3A_325 = arith.muli %add3A_316, %mul3A_324 : i32
      %add3A_326 = arith.addi %mul3A_2, %mul3A_325 : i32
      %dma_start3A_327 = tpu.memref_slice %arg3[%add3A_326] : memref<320000xi32, #tpu.memory_space<hbm>> -> memref<80xi32, #tpu.memory_space<hbm>>
      %dma_start3A_328 = tpu.memref_slice %arg3[%add3A_326] : memref<320000xi32, #tpu.memory_space<hbm>> -> memref<80xi32, #tpu.memory_space<hbm>>
      tpu.enqueue_dma source(%dma_start3A_328 : memref<80xi32, #tpu.memory_space<hbm>>) target(%arg13 : memref<80xi32, #tpu.memory_space<vmem>>) target_semaphore(%arg22 : memref<!tpu.dma_semaphore, #tpu.memory_space<semaphore_mem>>)
      %mul3A_329 = arith.constant 4 : i32
      %mul3A_330 = arith.muli %mul3A_329, %add3A_260 : i32
      %add3A_331 = arith.constant 2 : i32
      %add3A_332 = arith.addi %mul3A_330, %add3A_331 : i32
      %dma_wait3A_333 = arith.constant 0 : i32
      %dma_wait3A_334 = arith.constant 0 : i32
      %dma_wait3A_335 = tpu.memref_slice %arg2[%dma_wait3A_333, %dma_wait3A_334] : memref<320000x128xf32, #tpu.memory_space<hbm>> -> memref<80x128xf32, #tpu.memory_space<hbm>>
      %dma_wait3A_336 = arith.constant 0 : i32
      %dma_wait3A_337 = arith.constant 0 : i32
      %dma_wait3A_338 = tpu.memref_slice %arg2[%dma_wait3A_336, %dma_wait3A_337] : memref<320000x128xf32, #tpu.memory_space<hbm>> -> memref<80x128xf32, #tpu.memory_space<hbm>>
      tpu.wait_dma2 semaphore(%arg17 : memref<!tpu.dma_semaphore, #tpu.memory_space<semaphore_mem>>) src(%dma_wait3A_338 : memref<80x128xf32, #tpu.memory_space<hbm>>) dst(%arg8 : memref<80x128xf32, #tpu.memory_space<vmem>>)
      %dma_wait3A_339 = arith.constant 0 : i32
      %dma_wait3A_340 = tpu.memref_slice %arg3[%dma_wait3A_339] : memref<320000xi32, #tpu.memory_space<hbm>> -> memref<80xi32, #tpu.memory_space<hbm>>
      %dma_wait3A_341 = arith.constant 0 : i32
      %dma_wait3A_342 = tpu.memref_slice %arg3[%dma_wait3A_341] : memref<320000xi32, #tpu.memory_space<hbm>> -> memref<80xi32, #tpu.memory_space<hbm>>
      tpu.wait_dma2 semaphore(%arg21 : memref<!tpu.dma_semaphore, #tpu.memory_space<semaphore_mem>>) src(%dma_wait3A_342 : memref<80xi32, #tpu.memory_space<hbm>>) dst(%arg12 : memref<80xi32, #tpu.memory_space<vmem>>)
      %dma_start3A_343 = arith.constant 0 : i32
      %dma_start3A_344 = arith.constant 0 : i32
      %dma_start3A_345 = tpu.memref_slice %arg14[%dma_start3A_343, %dma_start3A_344] : memref<10000x128xf32, #tpu.memory_space<vmem_shared>> -> memref<10000x128xf32, #tpu.memory_space<vmem_shared>>
      tpu.enqueue_indirect_dma source(%arg8 : memref<80x128xf32, #tpu.memory_space<vmem>>) target(%dma_start3A_345 : memref<10000x128xf32, #tpu.memory_space<vmem_shared>>) offsets(%arg12 : memref<80xi32, #tpu.memory_space<vmem>>) semaphore(%arg25 : memref<!tpu.dma_semaphore, #tpu.memory_space<semaphore_mem>>) {add = true}
      %dma_wait3A_346 = arith.constant 0 : i32
      %dma_wait3A_347 = arith.constant 0 : i32
      %dma_wait3A_348 = tpu.memref_slice %arg14[%dma_wait3A_346, %dma_wait3A_347] : memref<10000x128xf32, #tpu.memory_space<vmem_shared>> -> memref<10000x128xf32, #tpu.memory_space<vmem_shared>>
      tpu.wait_indirect_dma semaphore(%arg23 : memref<!tpu.dma_semaphore, #tpu.memory_space<semaphore_mem>>) src(%arg6 : memref<80x128xf32, #tpu.memory_space<vmem>>) dst(%dma_wait3A_348 : memref<10000x128xf32, #tpu.memory_space<vmem_shared>>)
      %add3A_349 = arith.constant 2 : i32
      %add3A_350 = arith.addi %add3A_332, %add3A_349 : i32
      %mul3A_351 = arith.constant 80 : i32
      %mul3A_352 = arith.muli %add3A_350, %mul3A_351 : i32
      %add3A_353 = arith.addi %mul3A_2, %mul3A_352 : i32
      %dma_start3A_354 = arith.constant 0 : i32
      %dma_start3A_355 = tpu.memref_slice %arg2[%add3A_353, %dma_start3A_354] : memref<320000x128xf32, #tpu.memory_space<hbm>> -> memref<80x128xf32, #tpu.memory_space<hbm>>
      %dma_start3A_356 = arith.constant 0 : i32
      %dma_start3A_357 = tpu.memref_slice %arg2[%add3A_353, %dma_start3A_356] : memref<320000x128xf32, #tpu.memory_space<hbm>> -> memref<80x128xf32, #tpu.memory_space<hbm>>
      tpu.enqueue_dma source(%dma_start3A_357 : memref<80x128xf32, #tpu.memory_space<hbm>>) target(%arg6 : memref<80x128xf32, #tpu.memory_space<vmem>>) target_semaphore(%arg15 : memref<!tpu.dma_semaphore, #tpu.memory_space<semaphore_mem>>)
      %mul3A_358 = arith.constant 80 : i32
      %mul3A_359 = arith.muli %add3A_350, %mul3A_358 : i32
      %add3A_360 = arith.addi %mul3A_2, %mul3A_359 : i32
      %dma_start3A_361 = tpu.memref_slice %arg3[%add3A_360] : memref<320000xi32, #tpu.memory_space<hbm>> -> memref<80xi32, #tpu.memory_space<hbm>>
      %dma_start3A_362 = tpu.memref_slice %arg3[%add3A_360] : memref<320000xi32, #tpu.memory_space<hbm>> -> memref<80xi32, #tpu.memory_space<hbm>>
      tpu.enqueue_dma source(%dma_start3A_362 : memref<80xi32, #tpu.memory_space<hbm>>) target(%arg10 : memref<80xi32, #tpu.memory_space<vmem>>) target_semaphore(%arg19 : memref<!tpu.dma_semaphore, #tpu.memory_space<semaphore_mem>>)
      %mul3A_363 = arith.constant 4 : i32
      %mul3A_364 = arith.muli %mul3A_363, %add3A_260 : i32
      %add3A_365 = arith.constant 3 : i32
      %add3A_366 = arith.addi %mul3A_364, %add3A_365 : i32
      %dma_wait3A_367 = arith.constant 0 : i32
      %dma_wait3A_368 = arith.constant 0 : i32
      %dma_wait3A_369 = tpu.memref_slice %arg2[%dma_wait3A_367, %dma_wait3A_368] : memref<320000x128xf32, #tpu.memory_space<hbm>> -> memref<80x128xf32, #tpu.memory_space<hbm>>
      %dma_wait3A_370 = arith.constant 0 : i32
      %dma_wait3A_371 = arith.constant 0 : i32
      %dma_wait3A_372 = tpu.memref_slice %arg2[%dma_wait3A_370, %dma_wait3A_371] : memref<320000x128xf32, #tpu.memory_space<hbm>> -> memref<80x128xf32, #tpu.memory_space<hbm>>
      tpu.wait_dma2 semaphore(%arg18 : memref<!tpu.dma_semaphore, #tpu.memory_space<semaphore_mem>>) src(%dma_wait3A_372 : memref<80x128xf32, #tpu.memory_space<hbm>>) dst(%arg9 : memref<80x128xf32, #tpu.memory_space<vmem>>)
      %dma_wait3A_373 = arith.constant 0 : i32
      %dma_wait3A_374 = tpu.memref_slice %arg3[%dma_wait3A_373] : memref<320000xi32, #tpu.memory_space<hbm>> -> memref<80xi32, #tpu.memory_space<hbm>>
      %dma_wait3A_375 = arith.constant 0 : i32
      %dma_wait3A_376 = tpu.memref_slice %arg3[%dma_wait3A_375] : memref<320000xi32, #tpu.memory_space<hbm>> -> memref<80xi32, #tpu.memory_space<hbm>>
      tpu.wait_dma2 semaphore(%arg22 : memref<!tpu.dma_semaphore, #tpu.memory_space<semaphore_mem>>) src(%dma_wait3A_376 : memref<80xi32, #tpu.memory_space<hbm>>) dst(%arg13 : memref<80xi32, #tpu.memory_space<vmem>>)
      %dma_start3A_377 = arith.constant 0 : i32
      %dma_start3A_378 = arith.constant 0 : i32
      %dma_start3A_379 = tpu.memref_slice %arg14[%dma_start3A_377, %dma_start3A_378] : memref<10000x128xf32, #tpu.memory_space<vmem_shared>> -> memref<10000x128xf32, #tpu.memory_space<vmem_shared>>
      tpu.enqueue_indirect_dma source(%arg9 : memref<80x128xf32, #tpu.memory_space<vmem>>) target(%dma_start3A_379 : memref<10000x128xf32, #tpu.memory_space<vmem_shared>>) offsets(%arg13 : memref<80xi32, #tpu.memory_space<vmem>>) semaphore(%arg26 : memref<!tpu.dma_semaphore, #tpu.memory_space<semaphore_mem>>) {add = true}
      %dma_wait3A_380 = arith.constant 0 : i32
      %dma_wait3A_381 = arith.constant 0 : i32
      %dma_wait3A_382 = tpu.memref_slice %arg14[%dma_wait3A_380, %dma_wait3A_381] : memref<10000x128xf32, #tpu.memory_space<vmem_shared>> -> memref<10000x128xf32, #tpu.memory_space<vmem_shared>>
      tpu.wait_indirect_dma semaphore(%arg24 : memref<!tpu.dma_semaphore, #tpu.memory_space<semaphore_mem>>) src(%arg7 : memref<80x128xf32, #tpu.memory_space<vmem>>) dst(%dma_wait3A_382 : memref<10000x128xf32, #tpu.memory_space<vmem_shared>>)
      %add3A_383 = arith.constant 2 : i32
      %add3A_384 = arith.addi %add3A_366, %add3A_383 : i32
      %mul3A_385 = arith.constant 80 : i32
      %mul3A_386 = arith.muli %add3A_384, %mul3A_385 : i32
      %add3A_387 = arith.addi %mul3A_2, %mul3A_386 : i32
      %dma_start3A_388 = arith.constant 0 : i32
      %dma_start3A_389 = tpu.memref_slice %arg2[%add3A_387, %dma_start3A_388] : memref<320000x128xf32, #tpu.memory_space<hbm>> -> memref<80x128xf32, #tpu.memory_space<hbm>>
      %dma_start3A_390 = arith.constant 0 : i32
      %dma_start3A_391 = tpu.memref_slice %arg2[%add3A_387, %dma_start3A_390] : memref<320000x128xf32, #tpu.memory_space<hbm>> -> memref<80x128xf32, #tpu.memory_space<hbm>>
      tpu.enqueue_dma source(%dma_start3A_391 : memref<80x128xf32, #tpu.memory_space<hbm>>) target(%arg7 : memref<80x128xf32, #tpu.memory_space<vmem>>) target_semaphore(%arg16 : memref<!tpu.dma_semaphore, #tpu.memory_space<semaphore_mem>>)
      %mul3A_392 = arith.constant 80 : i32
      %mul3A_393 = arith.muli %add3A_384, %mul3A_392 : i32
      %add3A_394 = arith.addi %mul3A_2, %mul3A_393 : i32
      %dma_start3A_395 = tpu.memref_slice %arg3[%add3A_394] : memref<320000xi32, #tpu.memory_space<hbm>> -> memref<80xi32, #tpu.memory_space<hbm>>
      %dma_start3A_396 = tpu.memref_slice %arg3[%add3A_394] : memref<320000xi32, #tpu.memory_space<hbm>> -> memref<80xi32, #tpu.memory_space<hbm>>
      tpu.enqueue_dma source(%dma_start3A_396 : memref<80xi32, #tpu.memory_space<hbm>>) target(%arg11 : memref<80xi32, #tpu.memory_space<vmem>>) target_semaphore(%arg20 : memref<!tpu.dma_semaphore, #tpu.memory_space<semaphore_mem>>)
    }
    %scan3A_128 = arith.constant 29 : i32
    %dma_wait3A_129 = arith.constant 0 : i32
    %dma_wait3A_130 = arith.constant 0 : i32
    %dma_wait3A_131 = tpu.memref_slice %arg2[%dma_wait3A_129, %dma_wait3A_130] : memref<320000x128xf32, #tpu.memory_space<hbm>> -> memref<80x128xf32, #tpu.memory_space<hbm>>
    %dma_wait3A_132 = arith.constant 0 : i32
    %dma_wait3A_133 = arith.constant 0 : i32
    %dma_wait3A_134 = tpu.memref_slice %arg2[%dma_wait3A_132, %dma_wait3A_133] : memref<320000x128xf32, #tpu.memory_space<hbm>> -> memref<80x128xf32, #tpu.memory_space<hbm>>
    tpu.wait_dma2 semaphore(%arg15 : memref<!tpu.dma_semaphore, #tpu.memory_space<semaphore_mem>>) src(%dma_wait3A_134 : memref<80x128xf32, #tpu.memory_space<hbm>>) dst(%arg6 : memref<80x128xf32, #tpu.memory_space<vmem>>)
    %dma_wait3A_135 = arith.constant 0 : i32
    %dma_wait3A_136 = tpu.memref_slice %arg3[%dma_wait3A_135] : memref<320000xi32, #tpu.memory_space<hbm>> -> memref<80xi32, #tpu.memory_space<hbm>>
    %dma_wait3A_137 = arith.constant 0 : i32
    %dma_wait3A_138 = tpu.memref_slice %arg3[%dma_wait3A_137] : memref<320000xi32, #tpu.memory_space<hbm>> -> memref<80xi32, #tpu.memory_space<hbm>>
    tpu.wait_dma2 semaphore(%arg19 : memref<!tpu.dma_semaphore, #tpu.memory_space<semaphore_mem>>) src(%dma_wait3A_138 : memref<80xi32, #tpu.memory_space<hbm>>) dst(%arg10 : memref<80xi32, #tpu.memory_space<vmem>>)
    %dma_start3A_139 = arith.constant 0 : i32
    %dma_start3A_140 = arith.constant 0 : i32
    %dma_start3A_141 = tpu.memref_slice %arg14[%dma_start3A_139, %dma_start3A_140] : memref<10000x128xf32, #tpu.memory_space<vmem_shared>> -> memref<10000x128xf32, #tpu.memory_space<vmem_shared>>
    tpu.enqueue_indirect_dma source(%arg6 : memref<80x128xf32, #tpu.memory_space<vmem>>) target(%dma_start3A_141 : memref<10000x128xf32, #tpu.memory_space<vmem_shared>>) offsets(%arg10 : memref<80xi32, #tpu.memory_space<vmem>>) semaphore(%arg23 : memref<!tpu.dma_semaphore, #tpu.memory_space<semaphore_mem>>) {add = true}
    %dma_wait3A_142 = arith.constant 0 : i32
    %dma_wait3A_143 = arith.constant 0 : i32
    %dma_wait3A_144 = tpu.memref_slice %arg14[%dma_wait3A_142, %dma_wait3A_143] : memref<10000x128xf32, #tpu.memory_space<vmem_shared>> -> memref<10000x128xf32, #tpu.memory_space<vmem_shared>>
    tpu.wait_indirect_dma semaphore(%arg25 : memref<!tpu.dma_semaphore, #tpu.memory_space<semaphore_mem>>) src(%arg8 : memref<80x128xf32, #tpu.memory_space<vmem>>) dst(%dma_wait3A_144 : memref<10000x128xf32, #tpu.memory_space<vmem_shared>>)
    %add3A_145 = arith.constant 9760 : i32
    %add3A_146 = arith.addi %mul3A_2, %add3A_145 : i32
    %dma_start3A_147 = arith.constant 0 : i32
    %dma_start3A_148 = tpu.memref_slice %arg2[%add3A_146, %dma_start3A_147] : memref<320000x128xf32, #tpu.memory_space<hbm>> -> memref<80x128xf32, #tpu.memory_space<hbm>>
    %dma_start3A_149 = arith.constant 0 : i32
    %dma_start3A_150 = tpu.memref_slice %arg2[%add3A_146, %dma_start3A_149] : memref<320000x128xf32, #tpu.memory_space<hbm>> -> memref<80x128xf32, #tpu.memory_space<hbm>>
    tpu.enqueue_dma source(%dma_start3A_150 : memref<80x128xf32, #tpu.memory_space<hbm>>) target(%arg8 : memref<80x128xf32, #tpu.memory_space<vmem>>) target_semaphore(%arg17 : memref<!tpu.dma_semaphore, #tpu.memory_space<semaphore_mem>>)
    %add3A_151 = arith.constant 9760 : i32
    %add3A_152 = arith.addi %mul3A_2, %add3A_151 : i32
    %dma_start3A_153 = tpu.memref_slice %arg3[%add3A_152] : memref<320000xi32, #tpu.memory_space<hbm>> -> memref<80xi32, #tpu.memory_space<hbm>>
    %dma_start3A_154 = tpu.memref_slice %arg3[%add3A_152] : memref<320000xi32, #tpu.memory_space<hbm>> -> memref<80xi32, #tpu.memory_space<hbm>>
    tpu.enqueue_dma source(%dma_start3A_154 : memref<80xi32, #tpu.memory_space<hbm>>) target(%arg12 : memref<80xi32, #tpu.memory_space<vmem>>) target_semaphore(%arg21 : memref<!tpu.dma_semaphore, #tpu.memory_space<semaphore_mem>>)
    %dma_wait3A_155 = arith.constant 0 : i32
    %dma_wait3A_156 = arith.constant 0 : i32
    %dma_wait3A_157 = tpu.memref_slice %arg2[%dma_wait3A_155, %dma_wait3A_156] : memref<320000x128xf32, #tpu.memory_space<hbm>> -> memref<80x128xf32, #tpu.memory_space<hbm>>
    %dma_wait3A_158 = arith.constant 0 : i32
    %dma_wait3A_159 = arith.constant 0 : i32
    %dma_wait3A_160 = tpu.memref_slice %arg2[%dma_wait3A_158, %dma_wait3A_159] : memref<320000x128xf32, #tpu.memory_space<hbm>> -> memref<80x128xf32, #tpu.memory_space<hbm>>
    tpu.wait_dma2 semaphore(%arg16 : memref<!tpu.dma_semaphore, #tpu.memory_space<semaphore_mem>>) src(%dma_wait3A_160 : memref<80x128xf32, #tpu.memory_space<hbm>>) dst(%arg7 : memref<80x128xf32, #tpu.memory_space<vmem>>)
    %dma_wait3A_161 = arith.constant 0 : i32
    %dma_wait3A_162 = tpu.memref_slice %arg3[%dma_wait3A_161] : memref<320000xi32, #tpu.memory_space<hbm>> -> memref<80xi32, #tpu.memory_space<hbm>>
    %dma_wait3A_163 = arith.constant 0 : i32
    %dma_wait3A_164 = tpu.memref_slice %arg3[%dma_wait3A_163] : memref<320000xi32, #tpu.memory_space<hbm>> -> memref<80xi32, #tpu.memory_space<hbm>>
    tpu.wait_dma2 semaphore(%arg20 : memref<!tpu.dma_semaphore, #tpu.memory_space<semaphore_mem>>) src(%dma_wait3A_164 : memref<80xi32, #tpu.memory_space<hbm>>) dst(%arg11 : memref<80xi32, #tpu.memory_space<vmem>>)
    %dma_start3A_165 = arith.constant 0 : i32
    %dma_start3A_166 = arith.constant 0 : i32
    %dma_start3A_167 = tpu.memref_slice %arg14[%dma_start3A_165, %dma_start3A_166] : memref<10000x128xf32, #tpu.memory_space<vmem_shared>> -> memref<10000x128xf32, #tpu.memory_space<vmem_shared>>
    tpu.enqueue_indirect_dma source(%arg7 : memref<80x128xf32, #tpu.memory_space<vmem>>) target(%dma_start3A_167 : memref<10000x128xf32, #tpu.memory_space<vmem_shared>>) offsets(%arg11 : memref<80xi32, #tpu.memory_space<vmem>>) semaphore(%arg24 : memref<!tpu.dma_semaphore, #tpu.memory_space<semaphore_mem>>) {add = true}
    %dma_wait3A_168 = arith.constant 0 : i32
    %dma_wait3A_169 = arith.constant 0 : i32
    %dma_wait3A_170 = tpu.memref_slice %arg14[%dma_wait3A_168, %dma_wait3A_169] : memref<10000x128xf32, #tpu.memory_space<vmem_shared>> -> memref<10000x128xf32, #tpu.memory_space<vmem_shared>>
    tpu.wait_indirect_dma semaphore(%arg26 : memref<!tpu.dma_semaphore, #tpu.memory_space<semaphore_mem>>) src(%arg9 : memref<80x128xf32, #tpu.memory_space<vmem>>) dst(%dma_wait3A_170 : memref<10000x128xf32, #tpu.memory_space<vmem_shared>>)
    %add3A_171 = arith.constant 9840 : i32
    %add3A_172 = arith.addi %mul3A_2, %add3A_171 : i32
    %dma_start3A_173 = arith.constant 0 : i32
    %dma_start3A_174 = tpu.memref_slice %arg2[%add3A_172, %dma_start3A_173] : memref<320000x128xf32, #tpu.memory_space<hbm>> -> memref<80x128xf32, #tpu.memory_space<hbm>>
    %dma_start3A_175 = arith.constant 0 : i32
    %dma_start3A_176 = tpu.memref_slice %arg2[%add3A_172, %dma_start3A_175] : memref<320000x128xf32, #tpu.memory_space<hbm>> -> memref<80x128xf32, #tpu.memory_space<hbm>>
    tpu.enqueue_dma source(%dma_start3A_176 : memref<80x128xf32, #tpu.memory_space<hbm>>) target(%arg9 : memref<80x128xf32, #tpu.memory_space<vmem>>) target_semaphore(%arg18 : memref<!tpu.dma_semaphore, #tpu.memory_space<semaphore_mem>>)
    %add3A_177 = arith.constant 9840 : i32
    %add3A_178 = arith.addi %mul3A_2, %add3A_177 : i32
    %dma_start3A_179 = tpu.memref_slice %arg3[%add3A_178] : memref<320000xi32, #tpu.memory_space<hbm>> -> memref<80xi32, #tpu.memory_space<hbm>>
    %dma_start3A_180 = tpu.memref_slice %arg3[%add3A_178] : memref<320000xi32, #tpu.memory_space<hbm>> -> memref<80xi32, #tpu.memory_space<hbm>>
    tpu.enqueue_dma source(%dma_start3A_180 : memref<80xi32, #tpu.memory_space<hbm>>) target(%arg13 : memref<80xi32, #tpu.memory_space<vmem>>) target_semaphore(%arg22 : memref<!tpu.dma_semaphore, #tpu.memory_space<semaphore_mem>>)
    %dma_wait3A_181 = arith.constant 0 : i32
    %dma_wait3A_182 = arith.constant 0 : i32
    %dma_wait3A_183 = tpu.memref_slice %arg2[%dma_wait3A_181, %dma_wait3A_182] : memref<320000x128xf32, #tpu.memory_space<hbm>> -> memref<80x128xf32, #tpu.memory_space<hbm>>
    %dma_wait3A_184 = arith.constant 0 : i32
    %dma_wait3A_185 = arith.constant 0 : i32
    %dma_wait3A_186 = tpu.memref_slice %arg2[%dma_wait3A_184, %dma_wait3A_185] : memref<320000x128xf32, #tpu.memory_space<hbm>> -> memref<80x128xf32, #tpu.memory_space<hbm>>
    tpu.wait_dma2 semaphore(%arg17 : memref<!tpu.dma_semaphore, #tpu.memory_space<semaphore_mem>>) src(%dma_wait3A_186 : memref<80x128xf32, #tpu.memory_space<hbm>>) dst(%arg8 : memref<80x128xf32, #tpu.memory_space<vmem>>)
    %dma_wait3A_187 = arith.constant 0 : i32
    %dma_wait3A_188 = tpu.memref_slice %arg3[%dma_wait3A_187] : memref<320000xi32, #tpu.memory_space<hbm>> -> memref<80xi32, #tpu.memory_space<hbm>>
    %dma_wait3A_189 = arith.constant 0 : i32
    %dma_wait3A_190 = tpu.memref_slice %arg3[%dma_wait3A_189] : memref<320000xi32, #tpu.memory_space<hbm>> -> memref<80xi32, #tpu.memory_space<hbm>>
    tpu.wait_dma2 semaphore(%arg21 : memref<!tpu.dma_semaphore, #tpu.memory_space<semaphore_mem>>) src(%dma_wait3A_190 : memref<80xi32, #tpu.memory_space<hbm>>) dst(%arg12 : memref<80xi32, #tpu.memory_space<vmem>>)
    %dma_start3A_191 = arith.constant 0 : i32
    %dma_start3A_192 = arith.constant 0 : i32
    %dma_start3A_193 = tpu.memref_slice %arg14[%dma_start3A_191, %dma_start3A_192] : memref<10000x128xf32, #tpu.memory_space<vmem_shared>> -> memref<10000x128xf32, #tpu.memory_space<vmem_shared>>
    tpu.enqueue_indirect_dma source(%arg8 : memref<80x128xf32, #tpu.memory_space<vmem>>) target(%dma_start3A_193 : memref<10000x128xf32, #tpu.memory_space<vmem_shared>>) offsets(%arg12 : memref<80xi32, #tpu.memory_space<vmem>>) semaphore(%arg25 : memref<!tpu.dma_semaphore, #tpu.memory_space<semaphore_mem>>) {add = true}
    %dma_wait3A_194 = arith.constant 0 : i32
    %dma_wait3A_195 = arith.constant 0 : i32
    %dma_wait3A_196 = tpu.memref_slice %arg14[%dma_wait3A_194, %dma_wait3A_195] : memref<10000x128xf32, #tpu.memory_space<vmem_shared>> -> memref<10000x128xf32, #tpu.memory_space<vmem_shared>>
    tpu.wait_indirect_dma semaphore(%arg23 : memref<!tpu.dma_semaphore, #tpu.memory_space<semaphore_mem>>) src(%arg6 : memref<80x128xf32, #tpu.memory_space<vmem>>) dst(%dma_wait3A_196 : memref<10000x128xf32, #tpu.memory_space<vmem_shared>>)
    %add3A_197 = arith.constant 9920 : i32
    %add3A_198 = arith.addi %mul3A_2, %add3A_197 : i32
    %dma_start3A_199 = arith.constant 0 : i32
    %dma_start3A_200 = tpu.memref_slice %arg2[%add3A_198, %dma_start3A_199] : memref<320000x128xf32, #tpu.memory_space<hbm>> -> memref<80x128xf32, #tpu.memory_space<hbm>>
    %dma_start3A_201 = arith.constant 0 : i32
    %dma_start3A_202 = tpu.memref_slice %arg2[%add3A_198, %dma_start3A_201] : memref<320000x128xf32, #tpu.memory_space<hbm>> -> memref<80x128xf32, #tpu.memory_space<hbm>>
    tpu.enqueue_dma source(%dma_start3A_202 : memref<80x128xf32, #tpu.memory_space<hbm>>) target(%arg6 : memref<80x128xf32, #tpu.memory_space<vmem>>) target_semaphore(%arg15 : memref<!tpu.dma_semaphore, #tpu.memory_space<semaphore_mem>>)
    %add3A_203 = arith.constant 9920 : i32
    %add3A_204 = arith.addi %mul3A_2, %add3A_203 : i32
    %dma_start3A_205 = tpu.memref_slice %arg3[%add3A_204] : memref<320000xi32, #tpu.memory_space<hbm>> -> memref<80xi32, #tpu.memory_space<hbm>>
    %dma_start3A_206 = tpu.memref_slice %arg3[%add3A_204] : memref<320000xi32, #tpu.memory_space<hbm>> -> memref<80xi32, #tpu.memory_space<hbm>>
    tpu.enqueue_dma source(%dma_start3A_206 : memref<80xi32, #tpu.memory_space<hbm>>) target(%arg10 : memref<80xi32, #tpu.memory_space<vmem>>) target_semaphore(%arg19 : memref<!tpu.dma_semaphore, #tpu.memory_space<semaphore_mem>>)
    %dma_wait3A_207 = arith.constant 0 : i32
    %dma_wait3A_208 = arith.constant 0 : i32
    %dma_wait3A_209 = tpu.memref_slice %arg2[%dma_wait3A_207, %dma_wait3A_208] : memref<320000x128xf32, #tpu.memory_space<hbm>> -> memref<80x128xf32, #tpu.memory_space<hbm>>
    %dma_wait3A_210 = arith.constant 0 : i32
    %dma_wait3A_211 = arith.constant 0 : i32
    %dma_wait3A_212 = tpu.memref_slice %arg2[%dma_wait3A_210, %dma_wait3A_211] : memref<320000x128xf32, #tpu.memory_space<hbm>> -> memref<80x128xf32, #tpu.memory_space<hbm>>
    tpu.wait_dma2 semaphore(%arg18 : memref<!tpu.dma_semaphore, #tpu.memory_space<semaphore_mem>>) src(%dma_wait3A_212 : memref<80x128xf32, #tpu.memory_space<hbm>>) dst(%arg9 : memref<80x128xf32, #tpu.memory_space<vmem>>)
    %dma_wait3A_213 = arith.constant 0 : i32
    %dma_wait3A_214 = tpu.memref_slice %arg3[%dma_wait3A_213] : memref<320000xi32, #tpu.memory_space<hbm>> -> memref<80xi32, #tpu.memory_space<hbm>>
    %dma_wait3A_215 = arith.constant 0 : i32
    %dma_wait3A_216 = tpu.memref_slice %arg3[%dma_wait3A_215] : memref<320000xi32, #tpu.memory_space<hbm>> -> memref<80xi32, #tpu.memory_space<hbm>>
    tpu.wait_dma2 semaphore(%arg22 : memref<!tpu.dma_semaphore, #tpu.memory_space<semaphore_mem>>) src(%dma_wait3A_216 : memref<80xi32, #tpu.memory_space<hbm>>) dst(%arg13 : memref<80xi32, #tpu.memory_space<vmem>>)
    %dma_start3A_217 = arith.constant 0 : i32
    %dma_start3A_218 = arith.constant 0 : i32
    %dma_start3A_219 = tpu.memref_slice %arg14[%dma_start3A_217, %dma_start3A_218] : memref<10000x128xf32, #tpu.memory_space<vmem_shared>> -> memref<10000x128xf32, #tpu.memory_space<vmem_shared>>
    tpu.enqueue_indirect_dma source(%arg9 : memref<80x128xf32, #tpu.memory_space<vmem>>) target(%dma_start3A_219 : memref<10000x128xf32, #tpu.memory_space<vmem_shared>>) offsets(%arg13 : memref<80xi32, #tpu.memory_space<vmem>>) semaphore(%arg26 : memref<!tpu.dma_semaphore, #tpu.memory_space<semaphore_mem>>) {add = true}
    %dma_wait3A_220 = arith.constant 0 : i32
    %dma_wait3A_221 = arith.constant 0 : i32
    %dma_wait3A_222 = tpu.memref_slice %arg14[%dma_wait3A_220, %dma_wait3A_221] : memref<10000x128xf32, #tpu.memory_space<vmem_shared>> -> memref<10000x128xf32, #tpu.memory_space<vmem_shared>>
    tpu.wait_indirect_dma semaphore(%arg24 : memref<!tpu.dma_semaphore, #tpu.memory_space<semaphore_mem>>) src(%arg7 : memref<80x128xf32, #tpu.memory_space<vmem>>) dst(%dma_wait3A_222 : memref<10000x128xf32, #tpu.memory_space<vmem_shared>>)
    %dma_wait3A_223 = arith.constant 0 : i32
    %dma_wait3A_224 = arith.constant 0 : i32
    %dma_wait3A_225 = tpu.memref_slice %arg2[%dma_wait3A_223, %dma_wait3A_224] : memref<320000x128xf32, #tpu.memory_space<hbm>> -> memref<80x128xf32, #tpu.memory_space<hbm>>
    %dma_wait3A_226 = arith.constant 0 : i32
    %dma_wait3A_227 = arith.constant 0 : i32
    %dma_wait3A_228 = tpu.memref_slice %arg2[%dma_wait3A_226, %dma_wait3A_227] : memref<320000x128xf32, #tpu.memory_space<hbm>> -> memref<80x128xf32, #tpu.memory_space<hbm>>
    tpu.wait_dma2 semaphore(%arg15 : memref<!tpu.dma_semaphore, #tpu.memory_space<semaphore_mem>>) src(%dma_wait3A_228 : memref<80x128xf32, #tpu.memory_space<hbm>>) dst(%arg6 : memref<80x128xf32, #tpu.memory_space<vmem>>)
    %dma_wait3A_229 = arith.constant 0 : i32
    %dma_wait3A_230 = tpu.memref_slice %arg3[%dma_wait3A_229] : memref<320000xi32, #tpu.memory_space<hbm>> -> memref<80xi32, #tpu.memory_space<hbm>>
    %dma_wait3A_231 = arith.constant 0 : i32
    %dma_wait3A_232 = tpu.memref_slice %arg3[%dma_wait3A_231] : memref<320000xi32, #tpu.memory_space<hbm>> -> memref<80xi32, #tpu.memory_space<hbm>>
    tpu.wait_dma2 semaphore(%arg19 : memref<!tpu.dma_semaphore, #tpu.memory_space<semaphore_mem>>) src(%dma_wait3A_232 : memref<80xi32, #tpu.memory_space<hbm>>) dst(%arg10 : memref<80xi32, #tpu.memory_space<vmem>>)
    %dma_start3A_233 = arith.constant 0 : i32
    %dma_start3A_234 = arith.constant 0 : i32
    %dma_start3A_235 = tpu.memref_slice %arg14[%dma_start3A_233, %dma_start3A_234] : memref<10000x128xf32, #tpu.memory_space<vmem_shared>> -> memref<10000x128xf32, #tpu.memory_space<vmem_shared>>
    tpu.enqueue_indirect_dma source(%arg6 : memref<80x128xf32, #tpu.memory_space<vmem>>) target(%dma_start3A_235 : memref<10000x128xf32, #tpu.memory_space<vmem_shared>>) offsets(%arg10 : memref<80xi32, #tpu.memory_space<vmem>>) semaphore(%arg23 : memref<!tpu.dma_semaphore, #tpu.memory_space<semaphore_mem>>) {add = true}
    %dma_wait3A_236 = arith.constant 0 : i32
    %dma_wait3A_237 = arith.constant 0 : i32
    %dma_wait3A_238 = tpu.memref_slice %arg14[%dma_wait3A_236, %dma_wait3A_237] : memref<10000x128xf32, #tpu.memory_space<vmem_shared>> -> memref<10000x128xf32, #tpu.memory_space<vmem_shared>>
    tpu.wait_indirect_dma semaphore(%arg25 : memref<!tpu.dma_semaphore, #tpu.memory_space<semaphore_mem>>) src(%arg8 : memref<80x128xf32, #tpu.memory_space<vmem>>) dst(%dma_wait3A_238 : memref<10000x128xf32, #tpu.memory_space<vmem_shared>>)
    %dma_wait3A_239 = arith.constant 0 : i32
    %dma_wait3A_240 = arith.constant 0 : i32
    %dma_wait3A_241 = tpu.memref_slice %arg14[%dma_wait3A_239, %dma_wait3A_240] : memref<10000x128xf32, #tpu.memory_space<vmem_shared>> -> memref<10000x128xf32, #tpu.memory_space<vmem_shared>>
    tpu.wait_indirect_dma semaphore(%arg26 : memref<!tpu.dma_semaphore, #tpu.memory_space<semaphore_mem>>) src(%arg9 : memref<80x128xf32, #tpu.memory_space<vmem>>) dst(%dma_wait3A_241 : memref<10000x128xf32, #tpu.memory_space<vmem_shared>>)
    %dma_wait3A_242 = arith.constant 0 : i32
    %dma_wait3A_243 = arith.constant 0 : i32
    %dma_wait3A_244 = tpu.memref_slice %arg14[%dma_wait3A_242, %dma_wait3A_243] : memref<10000x128xf32, #tpu.memory_space<vmem_shared>> -> memref<10000x128xf32, #tpu.memory_space<vmem_shared>>
    tpu.wait_indirect_dma semaphore(%arg23 : memref<!tpu.dma_semaphore, #tpu.memory_space<semaphore_mem>>) src(%arg6 : memref<80x128xf32, #tpu.memory_space<vmem>>) dst(%dma_wait3A_244 : memref<10000x128xf32, #tpu.memory_space<vmem_shared>>)
    %barrier3A_245 = arith.constant 0 : index
    tpu.barrier barrier_id(%barrier3A_245)
    %lt3A_246 = arith.constant 15 : i32
    %lt3A_247 = arith.cmpi slt, %arg1, %lt3A_246 : i32
    %convert_element_type3A_248 = arith.extui %lt3A_247 : i1 to i32
    %cond3A_249 = arith.constant 0 : i32
    %cond3A_250 = arith.cmpi ne, %convert_element_type3A_248, %cond3A_249 : i32
    scf.if %cond3A_250 {
      %mul3A_256 = arith.constant 632 : i32
      %mul3A_257 = arith.muli %arg1, %mul3A_256 : i32
      %mul3A_258 = arith.constant 632 : i32
      %mul3A_259 = arith.muli %arg1, %mul3A_258 : i32
      "tpu.region"() ({
        %run_scoped3A = tpu.sem_alloc : memref<!tpu.dma_semaphore, #tpu.memory_space<semaphore_mem>>
        %dma_start3A_260 = arith.constant 0 : i32
        %dma_start3A_261 = tpu.memref_slice %arg5[%arg0, %mul3A_259, %dma_start3A_260] : memref<2x10000x128xf32, #tpu.memory_space<hbm>> -> memref<1x632x128xf32, #tpu.memory_space<hbm>>
        %dma_start3A_262 = tpu.memref_squeeze %dma_start3A_261 : memref<1x632x128xf32, #tpu.memory_space<hbm>> -> memref<632x128xf32, #tpu.memory_space<hbm>>
        %dma_start3A_263 = arith.constant 0 : i32
        %dma_start3A_264 = tpu.memref_slice %arg14[%mul3A_257, %dma_start3A_263] : memref<10000x128xf32, #tpu.memory_space<vmem_shared>> -> memref<632x128xf32, #tpu.memory_space<vmem_shared>>
        tpu.enqueue_dma source(%dma_start3A_264 : memref<632x128xf32, #tpu.memory_space<vmem_shared>>) target(%dma_start3A_262 : memref<632x128xf32, #tpu.memory_space<hbm>>) target_semaphore(%run_scoped3A : memref<!tpu.dma_semaphore, #tpu.memory_space<semaphore_mem>>)
        %dma_wait3A_265 = arith.constant 0 : i32
        %dma_wait3A_266 = tpu.memref_slice %arg5[%arg0, %mul3A_259, %dma_wait3A_265] : memref<2x10000x128xf32, #tpu.memory_space<hbm>> -> memref<1x632x128xf32, #tpu.memory_space<hbm>>
        %dma_wait3A_267 = tpu.memref_squeeze %dma_wait3A_266 : memref<1x632x128xf32, #tpu.memory_space<hbm>> -> memref<632x128xf32, #tpu.memory_space<hbm>>
        %dma_wait3A_268 = arith.constant 0 : i32
        %dma_wait3A_269 = tpu.memref_slice %arg14[%mul3A_257, %dma_wait3A_268] : memref<10000x128xf32, #tpu.memory_space<vmem_shared>> -> memref<632x128xf32, #tpu.memory_space<vmem_shared>>
        tpu.wait_dma2 semaphore(%run_scoped3A : memref<!tpu.dma_semaphore, #tpu.memory_space<semaphore_mem>>) src(%dma_wait3A_269 : memref<632x128xf32, #tpu.memory_space<vmem_shared>>) dst(%dma_wait3A_267 : memref<632x128xf32, #tpu.memory_space<hbm>>)
        tpu.yield
      }) : () -> ()
    } else {
    }
    %eq3A_251 = arith.constant 15 : i32
    %eq3A_252 = arith.cmpi eq, %arg1, %eq3A_251 : i32
    %convert_element_type3A_253 = arith.extui %eq3A_252 : i1 to i32
    %cond3A_254 = arith.constant 0 : i32
    %cond3A_255 = arith.cmpi ne, %convert_element_type3A_253, %cond3A_254 : i32
    scf.if %cond3A_255 {
      "tpu.region"() ({
        %run_scoped3A = tpu.sem_alloc : memref<!tpu.dma_semaphore, #tpu.memory_space<semaphore_mem>>
        %dma_start3A_256 = arith.constant 9480 : i32
        %dma_start3A_257 = arith.constant 0 : i32
        %dma_start3A_258 = tpu.memref_slice %arg5[%arg0, %dma_start3A_256, %dma_start3A_257] : memref<2x10000x128xf32, #tpu.memory_space<hbm>> -> memref<1x520x128xf32, #tpu.memory_space<hbm>>
        %dma_start3A_259 = tpu.memref_squeeze %dma_start3A_258 : memref<1x520x128xf32, #tpu.memory_space<hbm>> -> memref<520x128xf32, #tpu.memory_space<hbm>>
        %dma_start3A_260 = arith.constant 9480 : i32
        %dma_start3A_261 = arith.constant 0 : i32
        %dma_start3A_262 = tpu.memref_slice %arg14[%dma_start3A_260, %dma_start3A_261] : memref<10000x128xf32, #tpu.memory_space<vmem_shared>> -> memref<520x128xf32, #tpu.memory_space<vmem_shared>>
        tpu.enqueue_dma source(%dma_start3A_262 : memref<520x128xf32, #tpu.memory_space<vmem_shared>>) target(%dma_start3A_259 : memref<520x128xf32, #tpu.memory_space<hbm>>) target_semaphore(%run_scoped3A : memref<!tpu.dma_semaphore, #tpu.memory_space<semaphore_mem>>)
        %dma_wait3A_263 = arith.constant 9480 : i32
        %dma_wait3A_264 = arith.constant 0 : i32
        %dma_wait3A_265 = tpu.memref_slice %arg5[%arg0, %dma_wait3A_263, %dma_wait3A_264] : memref<2x10000x128xf32, #tpu.memory_space<hbm>> -> memref<1x520x128xf32, #tpu.memory_space<hbm>>
        %dma_wait3A_266 = tpu.memref_squeeze %dma_wait3A_265 : memref<1x520x128xf32, #tpu.memory_space<hbm>> -> memref<520x128xf32, #tpu.memory_space<hbm>>
        %dma_wait3A_267 = arith.constant 9480 : i32
        %dma_wait3A_268 = arith.constant 0 : i32
        %dma_wait3A_269 = tpu.memref_slice %arg14[%dma_wait3A_267, %dma_wait3A_268] : memref<10000x128xf32, #tpu.memory_space<vmem_shared>> -> memref<520x128xf32, #tpu.memory_space<vmem_shared>>
        tpu.wait_dma2 semaphore(%run_scoped3A : memref<!tpu.dma_semaphore, #tpu.memory_space<semaphore_mem>>) src(%dma_wait3A_269 : memref<520x128xf32, #tpu.memory_space<vmem_shared>>) dst(%dma_wait3A_266 : memref<520x128xf32, #tpu.memory_space<hbm>>)
        tpu.yield
      }) : () -> ()
    } else {
    }
    return
  }
}

module attributes {stable_mosaic.version = 14 : i64} {
  func.func @_add_body(%arg0: i32, %arg1: memref<2x1000x128xf32, #tpu.memory_space<vmem>>, %arg2: memref<1000x128xf32, #tpu.memory_space<vmem>>) attributes {dimension_semantics = [#tpu.dimension_semantics<arbitrary>], iteration_bounds = array<i64: 10>, scalar_prefetch = 0 : i64, scratch_operands = 0 : i64, tpu.core_type = #tpu.core_type<tc>, window_params = [{transform_indices = @transform_0, window_bounds = array<i64: 2, 1000, 128>}, {transform_indices = @transform_1, window_bounds = array<i64: 1000, 128>}]} {
    %get3A = arith.constant 0 : index
    %get3A_0 = arith.constant 0 : index
    %get3A_1 = arith.constant 0 : index
    %get3A_2 = vector.load %arg1[%get3A, %get3A_0, %get3A_1] : memref<2x1000x128xf32, #tpu.memory_space<vmem>>, vector<1x1000x128xf32>
    %get3A_3 = vector.shape_cast %get3A_2 : vector<1x1000x128xf32> to vector<1000x128xf32>
    %get3A_4 = arith.constant 1 : index
    %get3A_5 = arith.constant 0 : index
    %get3A_6 = arith.constant 0 : index
    %get3A_7 = vector.load %arg1[%get3A_4, %get3A_5, %get3A_6] : memref<2x1000x128xf32, #tpu.memory_space<vmem>>, vector<1x1000x128xf32>
    %get3A_8 = vector.shape_cast %get3A_7 : vector<1x1000x128xf32> to vector<1000x128xf32>
    %add3A = arith.addf %get3A_3, %get3A_8 : vector<1000x128xf32>
    %swap3A = arith.constant 0 : index
    %swap3A_9 = arith.constant 0 : index
    %swap3A_10 = vector.load %arg2[%swap3A, %swap3A_9] : memref<1000x128xf32, #tpu.memory_space<vmem>>, vector<1000x128xf32>
    tpu.vector_store %arg2[%swap3A, %swap3A_9], %add3A {strides = array<i32>} : memref<1000x128xf32, #tpu.memory_space<vmem>>, vector<1000x128xf32>,
    return
  }
  func.func @transform_0(%arg0: i32) -> (i32, i32, i32) {
    %c0_i32 = arith.constant 0 : i32
    %c0_i32_0 = arith.constant 0 : i32
    %c0_i32_1 = arith.constant 0 : i32
    return %c0_i32, %arg0, %c0_i32_0 : i32, i32, i32
  }
  func.func @transform_1(%arg0: i32) -> (i32, i32) {
    %c0_i32 = arith.constant 0 : i32
    %c0_i32_0 = arith.constant 0 : i32
    return %arg0, %c0_i32 : i32, i32
  }
}

</mosaic_0001>

<sc_bundles>
// kernel: kernel.4.cloned.1.call-start
scs
__scs_entry_jumppad:
0x0: {  	(pc) =	sbr.rel $0x88, $3  }
0x1: {  	(tag) =	ssettag $0x0;
	lr =	simm.s32 $0x1  }
0x2: {  	[smem:$0x3F9E] =	sst lr;
	_ =	strace $0xD0000000  }
0x3: {  	_ = 	snop  }
0x4: {  	_ = 	snop  }
0x5: {  	_ = 	snop  }
0x6: {  	_ = 	snop  }
0x7: {  	_ = 	snop  }
__scs_overlays_trampoline_lowered:
0x8: {  	[smem:$0x3FAD] =	sst s0  }
0x9: {  	[smem:$0x3FAE] =	sst s1  }
0xa: {  	[smem:$0x3FAF] =	sst s2  }
0xb: {  	[smem:$0x3FB0] =	sst s3  }
0xc: {  	[smem:$0x3FB1] =	sst s4  }
0xd: {  	[smem:$0x3FB2] =	sst s5  }
0xe: {  	[smem:$0x3FB3] =	sst s6  }
0xf: {  	[smem:$0x3FB4] =	sst s7  }
0x10: {  	[smem:$0x3FB5] =	sst s8  }
0x11: {  	[smem:$0x3FB6] =	sst s9;
	s0 =	simm.s32 @!p0 $0x0  }
0x12: {  	s1 =	sld [smem:$0x3F9C];
	s0 =	simm.s32 @p0 $0x1  }
0x13: {  	[smem:$0x3FB7] =	sst s0;
	s0 =	simm.s32 @!p1 $0x0  }
0x14: {  	s2 =	sld [smem:$0x3F9B];
	s0 =	simm.s32 @p1 $0x1  }
0x15: {  	[smem:$0x3FB8] =	sst s0;
	s0 =	simm.s32 @!p2 $0x0  }
0x16: {  	s3 =	sld [smem:$0x3FDB];
	s0 =	simm.s32 @p2 $0x1  }
0x17: {  	s4 =	simm.s32 $0x1BF5;
	[smem:$0x3FBA] =	sst s0  }
0x18: {  	s0 =	sld [smem:$0x3F9D];
	_ =	swait.ge [sflag:s4], $0x0  }
0x19: {  	s7 =	sld [smem:$0x3F9E]  }
0x1a: {  	s8 =	sadd.s32 $0xFFFFE003, lr  }
0x1b: {  	s9 =	sadd.s32 $0xFFFFFEF7, lr;
	s5 =	simm.s32 $0xFFFFFFFF;
	p2 =	slt.u32 s8, $0xFFFFF086  }
0x1c: {  	p1 =	slt.u32 s9, $0xF7A;
	s5 =	simm.s32 @!p2 $0x0  }
0x1d: {  	s5 =	simm.s32 @p1 $0x1;
	p0 =	seq.s32 s7, s2  }
0x1e: {  	s7 =	smul.u32 @!p0 $0xF7A, s2;
	p2 =	seq.s32 @!p0 s5, $0x0  }
0x1f: {  	s9 =	smul.u32 $0xF7A, s1;
	s8 =	simm.s32 @!p0 $0x1BF5;
	p2 =	por !p2, p0  }
0x20: {  	[sflag:s8] =	ssyncset.s32 @!p0 $0xFFFFF086;
	s6 =	sadd.s32 @!p0 s3, s7;
	s7 =	simm.s32 @!p0 $0x108  }
0x21: {  	s3 =	sadd.s32 s3, s9;
	s6 =	sadd.s32 @!p0 $0x88, s6;
	s7 =	simm.s32 @p2 $0x1082  }
0x22: {  	[simem:s7], [sflag:s8] =	dma.local @!p0 [hbm:s6], $0xF7A  }
0x23: {  	s9 =	sor.u32 $0xD0000000, s2;
	s6 =	simm.s32 $0x108;
	_ =	swait.ge @!p0 [sflag:s8], $0x0  }
0x24: {  	s3 =	sadd.s32 $0x88, s3;
	s6 =	simm.s32 @!p1 $0x1082;
	[sflag:s4] =	ssyncset.s32 $0xFFFFF086  }
0x25: {  	[simem:s6], [sflag:s4] =	dma.local [hbm:s3], $0xF7A  }
0x26: {  	[smem:$0x3F9E] =	sst s1;
	(tag) =	ssettag s2;
	_ =	strace s9  }
0x27: {  	s1 =	sld [smem:$0x3FAE]  }
0x28: {  	s2 =	sld [smem:$0x3FAF]  }
0x29: {  	s4 =	sld [smem:$0x3FB1]  }
0x2a: {  	p0 =	seq.s32 s5, $0x0;
	s5 =	sld [smem:$0x3FB2]  }
0x2b: {  	s6 =	sld [smem:$0x3FB3]  }
0x2c: {  	s7 =	sld [smem:$0x3FB4]  }
0x2d: {  	s3 =	simm.s32 $0x108;
	s8 =	sld [smem:$0x3FB5]  }
0x2e: {  	s3 =	simm.s32 @!p0 $0x1082;
	s9 =	sld [smem:$0x3FB6]  }
0x2f: {  	lr =	sadd.s32 s0, s3;
	s0 =	sld [smem:$0x3FAD]  }
0x30: {  	s3 =	sld [smem:$0x3FB0]  }
0x31: {  	[smem:$0x3FB9] =	sst s10  }
0x32: {  	s10 =	sld [smem:$0x3FB7];
	_ =	sdelay $0x3  }
0x33: {  	p0 =	seq.s32 s10, $0x1;
	s10 =	sld [smem:$0x3FB9];
	_ =	sdelay $0x3  }
0x34: {  	[smem:$0x3FB9] =	sst s10  }
0x35: {  	s10 =	sld [smem:$0x3FB8];
	_ =	sdelay $0x3  }
0x36: {  	p1 =	seq.s32 s10, $0x1;
	s10 =	sld [smem:$0x3FB9];
	_ =	sdelay $0x3  }
0x37: {  	[smem:$0x3FB9] =	sst s10  }
0x38: {  	s10 =	sld [smem:$0x3FBA]  }
0x39: {  	_ = 	snop;
	(pc) =	sbr.ind lr, $3  }
0x3a: {  	_ = 	snop  }
0x3b: {  	_ = 	snop  }
0x3c: {  	p2 =	seq.s32 s10, $0x1;
	s10 =	sld [smem:$0x3FB9]  }
0x3d: {  	_ =	shalt  }
0x3e: {  	_ =	shalt  }
0x3f: {  	_ =	shalt  }
0x40: {  	_ =	shalt  }
0x41: {  	_ =	shalt  }
0x42: {  	_ =	shalt  }
0x43: {  	_ =	shalt  }
0x44: {  	_ =	shalt  }
0x45: {  	_ =	shalt  }
0x46: {  	_ =	shalt  }
0x47: {  	_ =	shalt  }
0x48: {  	_ =	shalt  }
0x49: {  	_ =	shalt  }
0x4a: {  	_ =	shalt  }
0x4b: {  	_ =	shalt  }
0x4c: {  	_ =	shalt  }
0x4d: {  	_ =	shalt  }
0x4e: {  	_ =	shalt  }
0x4f: {  	_ =	shalt  }
0x50: {  	_ =	shalt  }
0x51: {  	_ =	shalt  }
0x52: {  	_ =	shalt  }
0x53: {  	_ =	shalt  }
0x54: {  	_ =	shalt  }
0x55: {  	_ =	shalt  }
0x56: {  	_ =	shalt  }
0x57: {  	_ =	shalt  }
0x58: {  	_ =	shalt  }
0x59: {  	_ =	shalt  }
0x5a: {  	_ =	shalt  }
0x5b: {  	_ =	shalt  }
0x5c: {  	_ =	shalt  }
0x5d: {  	_ =	shalt  }
0x5e: {  	_ =	shalt  }
0x5f: {  	_ =	shalt  }
0x60: {  	_ =	shalt  }
0x61: {  	_ =	shalt  }
0x62: {  	_ =	shalt  }
0x63: {  	_ =	shalt  }
0x64: {  	_ =	shalt  }
0x65: {  	_ =	shalt  }
0x66: {  	_ =	shalt  }
0x67: {  	_ =	shalt  }
0x68: {  	_ =	shalt  }
0x69: {  	_ =	shalt  }
0x6a: {  	_ =	shalt  }
0x6b: {  	_ =	shalt  }
0x6c: {  	_ =	shalt  }
0x6d: {  	_ =	shalt  }
0x6e: {  	_ =	shalt  }
0x6f: {  	_ =	shalt  }
0x70: {  	_ =	shalt  }
0x71: {  	_ =	shalt  }
0x72: {  	_ =	shalt  }
0x73: {  	_ =	shalt  }
0x74: {  	_ =	shalt  }
0x75: {  	_ =	shalt  }
0x76: {  	_ =	shalt  }
0x77: {  	_ =	shalt  }
0x78: {  	_ =	shalt  }
0x79: {  	_ =	shalt  }
0x7a: {  	_ =	shalt  }
0x7b: {  	_ =	shalt  }
0x7c: {  	_ =	shalt  }
0x7d: {  	_ =	shalt  }
0x7e: {  	_ =	shalt  }
0x7f: {  	_ =	shalt  }
0x80: {  	_ =	shalt  }
0x81: {  	_ =	shalt  }
0x82: {  	_ =	shalt  }
0x83: {  	_ =	shalt  }
0x84: {  	_ =	shalt  }
0x85: {  	_ =	shalt  }
0x86: {  	_ =	shalt  }
0x87: {  	_ =	shalt  }
.Lfunc_end0:
.L_simem_size_0:
called_computation_lowered:
.L_overlay_start_0:
0x88: {  	s2 =	sld [smem:$0x3FD9]  }
0x89: {  	s3 =	sld [smem:$0x3FFE];
	_ =	sdelay $0x1  }
0x8a: {  	s1 =	srdreg.scid  }
0x8b: {  	s0 =	sand.u32 $0x1, s1  }
0x8c: {  	s17 =	sshll.u32 s0, $0xA;
	s2 =	sadd.s32 s3, s2  }
0x8d: {  	s2 =	sadd.s32 s2, s17  }
0x8e: {  	[smem:$0x3FC5] =	sst s2  }
0x8f: {  	_ = 	snop  }
0x90: {  	s2 =	sld [smem:$0x3FC9]  }
0x91: {  	s18 =	sld [smem:$0x3FC8]  }
0x92: {  	s4 =	sld [smem:$0x3FC7];
	(tm) =	ssettm $0x1  }
0x93: {  	s5 =	sld [smem:$0x3FFB];
	_ =	sdelay $0x3  }
0x94: {  	_ =	strace s5  }
0x95: {  	s5 =	sld [smem:$0x3FFC];
	_ =	sdelay $0x3  }
0x96: {  	_ =	strace s5  }
0x97: {  	s5 =	sld [smem:$0x3FFD];
	_ =	sdelay $0x3  }
0x98: {  	_ =	strace s5  }
0x99: {  	_ =	strace $0x8FFFFFFF  }
0x9a: {  	s19 =	sld [smem:$0x3FDB];
	_ =	sdelay $0x1  }
0x9b: {  	s6 =	simm.s32 $_scs_section_size  }
0x9c: {  	s7 =	simm.s32 $_size__tile_overlayer_lowered;
	s8 =	simm.s32 $_tile_overlayer_lowered  }
0x9d: {  	s22 =	simm.s32 $0x1BFF;
	s21 =	sshll.u32 s8, $0x1;
	s5 =	sadd.s32 s6, s19  }
0x9e: {  	s9 =	simm.s32 $0x0;
	s20 =	sshll.u32 s7, $0x1;
	s7 =	sadd.s32 s21, s5  }
0x9f: {  	[timem:s9], [sflag:s22] =	dma.local [hbm:s7], s20  }
0xa0: {  	_ =	swait.ge [sflag:s22], s20  }
0xa1: {  	s6 =	ssub.s32 $0x0, s20;
	[sflag:s22] =	ssyncset.done $0x0  }
0xa2: {  	[sflag:s22] =	ssyncadd.s32 s6;
	_ =	sdelay $0x1  }
0xa3: {  	s23 =	simm.s32 $0x1B8B  }
0xa4: {  	_ =	swait.ge [sflag:s23], $0x1  }
0xa5: {  	[sflag:s23] =	ssyncset.done $0x0  }
0xa6: {  	s25 =	simm.s32 $0x1B8E;
	s24 =	sld [smem:$0x3FFE];
	[sflag:s23] =	ssyncadd.s32 $0xFFFFFFFF  }
0xa7: {  	s26 =	simm.s32 $execute0_lowered;
	[smem:$0x3FD2] =	sst s25  }
0xa8: {  	s7 =	sshll.u32 s26, $0x1;
	_ =	strace $0x80000046;
	[dreg:$0x1] =	wrdreg $0xFFFFFFFF  }
0xa9: {  	s28 =	simm.s32 $_size_execute0_lowered;
	s5 =	sadd.s32 s5, s7;
	[dreg:$0x0] =	wrdreg $0x0  }
0xaa: {  	s7 =	sshll.u32 s28, $0x1;
	[dreg:$0x2] =	wrdreg s5  }
0xab: {  	[dreg:$0x3] =	wrdreg s7  }
0xac: {  	[dreg:$0x4] =	wrdreg $0xC0  }
0xad: {  	_ =	task [dreg:s9], $0x5FFFF  }
0xae: {  	[dreg:$0x1] =	wrdreg $0xFFFFFFFF  }
0xaf: {  	[dreg:$0x0] =	wrdreg $0x60  }
0xb0: {  	[dreg:$0x2] =	wrdreg s2  }
0xb1: {  	[dreg:$0x3] =	wrdreg s18  }
0xb2: {  	[dreg:$0x4] =	wrdreg s4  }
0xb3: {  	[dreg:$0x5] =	wrdreg s24  }
0xb4: {  	[dreg:$0x6] =	wrdreg $0xA2000  }
0xb5: {  	[dreg:$0x7] =	wrdreg $0x9  }
0xb6: {  	_ =	task.clear_ibuf [dreg:s9], $0x8FFFF;
	_ =	strace $0x90000046  }
0xb7: {  	s29 =	simm.s32 $0x9;
	_ =	strace $0x80000048  }
0xb8: {  	_ =	swait.ge [sflag:s29], $0x1  }
0xb9: {  	[sflag:s29] =	ssyncadd.s32 $0xFFFFFFFF  }
0xba: {  	_ =	strace $0x90000048  }
0xbb: {  	_ =	sfence  }
0xbc: {  	s30 =	sld [smem:$0x0];
	_ =	sdelay $0x2  }
0xbd: {  	s31 =	sshll.u32 s1, $0xD;
	s1 =	sshrl.u32 s1, $0x2  }
0xbe: {  	s3 =	sand.u32 $0x4000, s31;
	s1 =	sadd.s32 s1, s30  }
0xbf: {  	s0 =	sor.u32 s3, s0;
	s1 =	sshll.u32 s1, $0x11  }
0xc0: {  	s0 =	sor.u32 s1, s0  }
0xc1: {  	s0 =	sadd.s32 $0x8F2B, s0  }
0xc2: {  	[sflag:s0] =	ssyncadd.remote.s32 $0x1  }
0xc3: {  	_ =	sfence.sel $0xFFFF  }
0xc4: {  	[dreg:$0x0] =	wrdreg $0xFFFFFFFF;
	(pc) =	sbr.abs _section_cstart, $3  }
0xc5: {  	[dreg:$0x1] =	wrdreg $0xFFFFFFFF  }
0xc6: {  	_ =	task.clear_ibuf [dreg:s9], $0x2FFFF;
	_ =	strace $0x9FFFFFFF  }
0xc7: {  	(tm) =	ssettm $0x7FFFFFFF  }
tec
execute0_lowered:
.L_overlay_start_1:
0x0: {  	(tag) =	ssettag $0x1  }
0x1: {  	s4 =	rddreg [dreg:$0x0]  }
0x2: {  	s1 =	srdreg.scid;
	s0 =	rddreg [dreg:$0x1]  }
0x3: {  	s22 =	stileid.u32;
	s2 =	rddreg [dreg:$0x2]  }
0x4: {  	s6 =	rddreg [dreg:$0x3];
	s5 =	sand.u32 $0x1, s1;
	s17 =	smul.u32 $0x4E200, s22  }
0x5: {  	s28 =	simm.s32 $0xC;
	s29 =	simm.s32 $0x0;
	s31 =	smul.u32 $0x138800, s5  }
0x6: {  	s20 =	sshll.u32 s22, $0x1;
	s1 =	simm.s32 $0x0;
	s19 =	smul.u32 $0x27100, s5  }
0x7: {  	s3 =	sor.u32 s5, s20;
	s8 =	ssub.s32 $0x2, s5;
	s5 =	smul.u32 $0x2710, s5  }
0x8: {  	s6 =	sadd.s32 $0x600, s6;
	p0 =	seq.s32 s22, $0xF;
	s7 =	smul.u32 $0x2710, s3  }
0x9: {  	[smem:$0x7FF] =	sst s1;
	s9 =	sshrl.u32 s8, $0x1;
	s10 =	smul.u32 $0x27100, s3  }
0xa: {  	s17 =	sadd.s32 s17, s4;
	s3 =	ssub.s32 s8, s9;
	s12 =	sadd.s32 $0x50, s7  }
0xb: {  	s9 =	sadd.s32 $0xA0, s7;
	s10 =	sadd.s32 s4, s10;
	s14 =	sadd.s32 $0x190, s7  }
0xc: {  	s15 =	sadd.s32 $0x2670, s7;
	s18 =	sadd.s32 $0x26C0, s7;
	s21 =	sshll.u32 s12, $0x4  }
0xd: {  	[dreg:$0x7] =	wrdreg s10;
	s23 =	sshll.u32 s9, $0x4;
	s10 =	sadd.s32 $0x140, s7  }
0xe: {  	s25 =	sshll.u32 s14, $0x4;
	s16 =	sshll.u32 s15, $0x4;
	s20 =	sshll.u32 s18, $0x4  }
0xf: {  	s12 =	sshrl.u32 s12, $0x3;
	s8 =	sadd.s32 s4, s21;
	s13 =	sshll.u32 s10, $0x4  }
0x10: {  	s30 =	sadd.s32 s4, s16;
	s21 =	smul.u32 $0x13C00, s22;
	s16 =	sshrl.u32 s31, $0x3  }
0x11: {  	[dreg:$0x8] =	wrdreg s8;
	s8 =	sadd.s32 s4, s23;
	s24 =	sadd.s32 s4, s13  }
0x12: {  	s13 =	sadd.s32 $0x2620, s7;
	[dreg:$0xe] =	wrdreg s30;
	s23 =	smul.u32 $0x4E20, s22  }
0x13: {  	s30 =	sadd.s32 s0, s12;
	s12 =	sshrl.u32 s14, $0x3;
	[dreg:$0x9] =	wrdreg s8  }
0x14: {  	s14 =	sshrl.u32 s15, $0x3;
	s8 =	sadd.s32 $0xF0, s7;
	[dreg:$0xb] =	wrdreg s24  }
0x15: {  	s26 =	sshll.u32 s13, $0x4;
	s21 =	sadd.s32 s21, s31;
	s24 =	smul.u32 $0x4F000, s22  }
0x16: {  	s7 =	sshrl.u32 s7, $0x3;
	s31 =	sshrl.u32 s9, $0x3;
	s11 =	sshll.u32 s8, $0x4  }
0x17: {  	s9 =	sshrl.u32 s10, $0x3;
	s13 =	sshrl.u32 s13, $0x3;
	s11 =	sadd.s32 s4, s11  }
0x18: {  	s15 =	sadd.s32 s0, s14;
	[dreg:$0xa] =	wrdreg s11;
	s11 =	sadd.s32 s4, s25  }
0x19: {  	s14 =	simm.s32 $0x7800;
	[dreg:$0xc] =	wrdreg s11;
	s11 =	sadd.s32 s4, s26  }
0x1a: {  	s7 =	sadd.s32 s0, s7;
	s4 =	sadd.s32 s4, s20;
	[dreg:$0xd] =	wrdreg s11  }
0x1b: {  	s20 =	sadd.s32 s19, s17;
	s17 =	sshrl.u32 s21, $0x3;
	s11 =	rddreg [dreg:$0x4]  }
0x1c: {  	s8 =	sshrl.u32 s8, $0x3;
	[dreg:$0xf] =	wrdreg s4;
	s17 =	sadd.s32 s6, s17  }
0x1d: {  	s10 =	sadd.s32 s0, s9;
	_ =	strace $0x80000047;
	[dreg:$0x10] =	wrdreg s17  }
0x1e: {  	s9 =	simm.s32 $0xA100;
	s25 =	sadd.s32 s5, s23;
	[dreg:$0x6] =	wrdreg s20  }
0x1f: {  	s5 =	simm.s32 $0x1;
	s26 =	sshrl.u32 s24, $0x2;
	[dreg:$0x11] =	wrdreg s7  }
0x20: {  	s21 =	smul.u32 $0x2780, s22;
	s22 =	simm.s32 $0xB;
	[dreg:$0x12] =	wrdreg s30  }
0x21: {  	s6 =	sadd.s32 s6, s16;
	s16 =	sadd.s32 $0x2D0, s25;
	[dreg:$0x15] =	wrdreg s10  }
0x22: {  	s4 =	sadd.s32 $0x1E0, s25;
	s7 =	sadd.s32 s0, s31;
	[dreg:$0x18] =	wrdreg s15  }
0x23: {  	s17 =	sshrl.u32 s18, $0x3;
	s18 =	sadd.s32 $0x280, s25;
	s20 =	sadd.s32 $0x230, s25  }
0x24: {  	s4 =	sshrl.u32 s4, $0x3;
	s23 =	sadd.s32 s26, s11;
	[dreg:$0x13] =	wrdreg s7  }
0x25: {  	s24 =	sadd.s32 s2, s21;
	s25 =	sadd.s32 $0x25080, s2;
	[dreg:$0x1e] =	wrdreg s23  }
0x26: {  	s26 =	sadd.s32 $0x25080, s6;
	s30 =	smax.u32 s3, $0x1;
	[dreg:$0x1f] =	wrdreg s24  }
0x27: {  	s31 =	sadd.s32 $0x128400, s11;
	s2 =	simm.s32 $0xA000;
	[smem:$0x7FA] =	sst s25  }
0x28: {  	s3 =	simm.s32 $0x2800;
	s6 =	simm.s32 $0x5;
	[smem:$0x7FB] =	sst s26  }
0x29: {  	s15 =	simm.s32 $0xA180;
	s21 =	simm.s32 $0xA;
	[smem:$0x7FC] =	sst s30  }
0x2a: {  	s7 =	sadd.s32 s0, s8;
	s8 =	sadd.s32 s0, s17;
	[smem:$0x7FD] =	sst s31  }
0x2b: {  	s19 =	sshrl.u32 s18, $0x3;
	[dreg:$0x14] =	wrdreg s7;
	s7 =	sadd.s32 s0, s12  }
0x2c: {  	s17 =	simm.s32 $0x7;
	[dreg:$0x16] =	wrdreg s7;
	s7 =	sadd.s32 s0, s13  }
0x2d: {  	s18 =	simm.s32 $0x9;
	[dreg:$0x17] =	wrdreg s7;
	s7 =	sshrl.u32 s16, $0x3  }
0x2e: {  	[dreg:$0x19] =	wrdreg s8;
	s8 =	simm.s32 $0x5000;
	s7 =	sadd.s32 s7, s0  }
0x2f: {  	s12 =	simm.s32 $0x2;
	[dreg:$0x1a] =	wrdreg s7;
	s7 =	sadd.s32 s19, s0  }
0x30: {  	s13 =	simm.s32 $0x6;
	[dreg:$0x1b] =	wrdreg s7;
	s7 =	sshrl.u32 s20, $0x3  }
0x31: {  	s16 =	simm.s32 $0x3;
	s19 =	simm.s32 $0x4;
	s7 =	sadd.s32 s7, s0  }
0x32: {  	s20 =	simm.s32 $0x8;
	s0 =	sadd.s32 s4, s0;
	[dreg:$0x1c] =	wrdreg s7  }
0x33: {  	s4 =	simm.s32 $0xA080;
	[dreg:$0x1d] =	wrdreg s0;
	s7 =	simm.s32 $0x50  }
.LBB2_1:
0x34: {  	s0 =	sld [smem:$0x7FD];
	_ =	sdelay $0x1  }
0x35: {  	s10 =	sld [smem:$0x7FA]  }
0x36: {  	s23 =	sshrl.u32 @p0 s0, $0x3  }
0x37: {  	s0 =	simm.s32 @p0 $0x1FCD;
	[smem:$0x7F7] =	sst s23  }
0x38: {  	[spmem:s23], [sflag:s0] =	dma.local @p0 [hbm:s10], $0x2080  }
0x39: {  	s0 =	simm.s32 @p0 $0xD  }
0x3a: {  	s10 =	stileid.u32;
	_ =	swait.ge @p0 [sflag:s0], $0x2080  }
0x3b: {  	s10 =	sshll.u32 @!p0 s10, $0x6;
	[sflag:s0] =	ssyncset.done @p0 $0x0  }
0x3c: {  	s10 =	sor.u32 @!p0 $0x1C0D, s10;
	[sflag:s0] =	ssyncadd.s32 @p0 $0xFFFFDF80;
	s0 =	rddreg [dreg:$0x1e]  }
0x3d: {  	[smem:$0x7F8] =	sst s10  }
0x3e: {  	s23 =	sshrl.u32 @!p0 s0, $0x3;
	s0 =	rddreg [dreg:$0x1f]  }
0x3f: {  	[smem:$0x7F9] =	sst s23  }
0x40: {  	[spmem:s23], [sflag:s10] =	dma.local @!p0 [hbm:s0], $0x2780  }
0x41: {  	s0 =	simm.s32 @!p0 $0xD  }
0x42: {  	_ =	swait.ge @!p0 [sflag:s0], $0x2780  }
0x43: {  	[sflag:s0] =	ssyncset.done @!p0 $0x0  }
0x44: {  	[sflag:s0] =	ssyncadd.s32 @!p0 $0xFFFFD880  }
0x45: {  	[bflag:$0x0] =	sbarrier.arrive $0xFFFF  }
0x46: {  	s26 =	rddreg [dreg:$0x7]  }
0x47: {  	[tilespmem:s1], [sflag:$0x1] =	stream.linear.gather [hbm4b:s26+s1], $0x2800, $0x38;
	[tilespmem:$0x1DA80] =	vst v63  }
0x48: {  	s31 =	rddreg [dreg:$0x11]  }
0x49: {  	[tilespmem:s2], [sflag:$0x5] =	stream.linear.gather [hbm4b:s31+s1], $0x50, $0x38;
	[tilespmem:$0x1DA80] =	vst v63  }
0x4a: {  	s10 =	rddreg [dreg:$0x8]  }
0x4b: {  	[tilespmem:s3], [sflag:$0x2] =	stream.linear.gather [hbm4b:s10+s1], $0x2800, $0x38;
	[tilespmem:$0x1DA80] =	vst v63  }
0x4c: {  	s23 =	rddreg [dreg:$0x12]  }
0x4d: {  	[tilespmem:s4], [sflag:$0x6] =	stream.linear.gather [hbm4b:s23+s1], $0x50, $0x38;
	[tilespmem:$0x1DA80] =	vst v63  }
0x4e: {  	_ =	swait.ge [sflag:s5], $0x2800  }
0x4f: {  	[sflag:s5] =	ssyncset.done $0x0  }
0x50: {  	[sflag:s5] =	ssyncadd.s32 $0xFFFFD800  }
0x51: {  	_ =	swait.ge [sflag:s6], $0x50  }
0x52: {  	[sflag:s6] =	ssyncset.done $0x0  }
0x53: {  	[sflag:s6] =	ssyncadd.s32 $0xFFFFFFB0  }
0x54: {  	[spmem:s11] =	stream.indirect.scatter.add.f32 [tilespmem:s1], [sflag:$0x9], $0x80, s2, s7, $0xb8;
	[tilespmem:$0x1DA80] =	vst v63  }
0x55: {  	s24 =	rddreg [dreg:$0x9]  }
0x56: {  	[tilespmem:s8], [sflag:$0x3] =	stream.linear.gather [hbm4b:s24+s1], $0x2800, $0x38;
	[tilespmem:$0x1DA80] =	vst v63  }
0x57: {  	s25 =	rddreg [dreg:$0x13]  }
0x58: {  	[tilespmem:s9], [sflag:$0x7] =	stream.linear.gather [hbm4b:s25+s1], $0x50, $0x38;
	[tilespmem:$0x1DA80] =	vst v63  }
0x59: {  	_ =	swait.ge [sflag:s12], $0x2800  }
0x5a: {  	[sflag:s12] =	ssyncset.done $0x0  }
0x5b: {  	[sflag:s12] =	ssyncadd.s32 $0xFFFFD800  }
0x5c: {  	_ =	swait.ge [sflag:s13], $0x50  }
0x5d: {  	[sflag:s13] =	ssyncset.done $0x0  }
0x5e: {  	[sflag:s13] =	ssyncadd.s32 $0xFFFFFFB0  }
0x5f: {  	[spmem:s11] =	stream.indirect.scatter.add.f32 [tilespmem:s3], [sflag:$0xA], $0x80, s4, s7, $0xb8;
	[tilespmem:$0x1DA80] =	vst v63  }
0x60: {  	s26 =	rddreg [dreg:$0xa]  }
0x61: {  	[tilespmem:s14], [sflag:$0x4] =	stream.linear.gather [hbm4b:s26+s1], $0x2800, $0x38;
	[tilespmem:$0x1DA80] =	vst v63  }
0x62: {  	s31 =	rddreg [dreg:$0x14]  }
0x63: {  	[tilespmem:s15], [sflag:$0x8] =	stream.linear.gather [hbm4b:s31+s1], $0x50, $0x38;
	[tilespmem:$0x1DA80] =	vst v63  }
0x64: {  	_ =	swait.ge [sflag:s16], $0x2800  }
0x65: {  	[sflag:s16] =	ssyncset.done $0x0  }
0x66: {  	[sflag:s16] =	ssyncadd.s32 $0xFFFFD800  }
0x67: {  	_ =	swait.ge [sflag:s17], $0x50  }
0x68: {  	[sflag:s17] =	ssyncset.done $0x0  }
0x69: {  	[sflag:s17] =	ssyncadd.s32 $0xFFFFFFB0  }
0x6a: {  	[spmem:s11] =	stream.indirect.scatter.add.f32 [tilespmem:s8], [sflag:$0xB], $0x80, s9, s7, $0xb8;
	[tilespmem:$0x1DA80] =	vst v63  }
0x6b: {  	_ =	swait.ge [sflag:s18], $0x2800  }
0x6c: {  	[sflag:s18] =	ssyncset.done $0x0  }
0x6d: {  	s10 =	rddreg [dreg:$0xb];
	[sflag:s18] =	ssyncadd.s32 $0xFFFFD800  }
0x6e: {  	[tilespmem:s1], [sflag:$0x1] =	stream.linear.gather [hbm4b:s10+s1], $0x2800, $0x38;
	[tilespmem:$0x1DA80] =	vst v63  }
0x6f: {  	s23 =	rddreg [dreg:$0x15]  }
0x70: {  	[tilespmem:s2], [sflag:$0x5] =	stream.linear.gather [hbm4b:s23+s1], $0x50, $0x38;
	[tilespmem:$0x1DA80] =	vst v63  }
0x71: {  	_ =	swait.ge [sflag:s19], $0x2800  }
0x72: {  	[sflag:s19] =	ssyncset.done $0x0  }
0x73: {  	[sflag:s19] =	ssyncadd.s32 $0xFFFFD800  }
0x74: {  	_ =	swait.ge [sflag:s20], $0x50  }
0x75: {  	[sflag:s20] =	ssyncset.done $0x0  }
0x76: {  	[sflag:s20] =	ssyncadd.s32 $0xFFFFFFB0  }
0x77: {  	[spmem:s11] =	stream.indirect.scatter.add.f32 [tilespmem:s14], [sflag:$0xC], $0x80, s15, s7, $0xb8;
	[tilespmem:$0x1DA80] =	vst v63  }
0x78: {  	_ =	swait.ge [sflag:s21], $0x2800  }
0x79: {  	[sflag:s21] =	ssyncset.done $0x0  }
0x7a: {  	s24 =	rddreg [dreg:$0xc];
	[sflag:s21] =	ssyncadd.s32 $0xFFFFD800  }
0x7b: {  	[tilespmem:s3], [sflag:$0x2] =	stream.linear.gather [hbm4b:s24+s1], $0x2800, $0x38;
	[tilespmem:$0x1DA80] =	vst v63  }
0x7c: {  	s25 =	rddreg [dreg:$0x16]  }
0x7d: {  	[tilespmem:s4], [sflag:$0x6] =	stream.linear.gather [hbm4b:s25+s1], $0x50, $0x38;
	[tilespmem:$0x1DA80] =	vst v63  }
0x7e: {  	_ =	swait.ge [sflag:s5], $0x2800  }
0x7f: {  	[sflag:s5] =	ssyncset.done $0x0  }
0x80: {  	[sflag:s5] =	ssyncadd.s32 $0xFFFFD800  }
0x81: {  	_ =	swait.ge [sflag:s6], $0x50  }
0x82: {  	[sflag:s6] =	ssyncset.done $0x0  }
0x83: {  	[sflag:s6] =	ssyncadd.s32 $0xFFFFFFB0  }
0x84: {  	[spmem:s11] =	stream.indirect.scatter.add.f32 [tilespmem:s1], [sflag:$0x9], $0x80, s2, s7, $0xb8;
	[tilespmem:$0x1DA80] =	vst v63  }
0x85: {  	_ =	swait.ge [sflag:s22], $0x2800  }
0x86: {  	s26 =	rddreg [dreg:$0x6]  }
0x87: {  	[sflag:s22] =	ssyncset.done $0x0;
	s0 =	sadd.s32 $0x0, s26  }
0x88: {  	[sflag:s22] =	ssyncadd.s32 $0xFFFFD800;
	s31 =	sadd.s32 $0x1E00, s0  }
0x89: {  	[tilespmem:s8], [sflag:$0x3] =	stream.linear.gather [hbm4b:s31+s1], $0x2800, $0x38;
	[tilespmem:$0x1DA80] =	vst v63  }
0x8a: {  	s24 =	rddreg [dreg:$0x1d]  }
0x8b: {  	[tilespmem:s9], [sflag:$0x7] =	stream.linear.gather [hbm4b:s24+s1], $0x50, $0x38;
	[tilespmem:$0x1DA80] =	vst v63  }
0x8c: {  	_ =	swait.ge [sflag:s12], $0x2800  }
0x8d: {  	[sflag:s12] =	ssyncset.done $0x0  }
0x8e: {  	[sflag:s12] =	ssyncadd.s32 $0xFFFFD800  }
0x8f: {  	_ =	swait.ge [sflag:s13], $0x50  }
0x90: {  	[sflag:s13] =	ssyncset.done $0x0  }
0x91: {  	[sflag:s13] =	ssyncadd.s32 $0xFFFFFFB0  }
0x92: {  	[spmem:s11] =	stream.indirect.scatter.add.f32 [tilespmem:s3], [sflag:$0xA], $0x80, s4, s7, $0xb8;
	[tilespmem:$0x1DA80] =	vst v63  }
0x93: {  	_ =	swait.ge [sflag:s28], $0x2800  }
0x94: {  	[sflag:s28] =	ssyncset.done $0x0  }
0x95: {  	s10 =	sadd.s32 $0x2300, s0;
	[sflag:s28] =	ssyncadd.s32 $0xFFFFD800  }
0x96: {  	[tilespmem:s14], [sflag:$0x4] =	stream.linear.gather [hbm4b:s10+s1], $0x2800, $0x38;
	[tilespmem:$0x1DA80] =	vst v63  }
0x97: {  	s26 =	rddreg [dreg:$0x1c]  }
0x98: {  	[tilespmem:s15], [sflag:$0x8] =	stream.linear.gather [hbm4b:s26+s1], $0x50, $0x38;
	[tilespmem:$0x1DA80] =	vst v63  }
0x99: {  	_ =	swait.ge [sflag:s16], $0x2800  }
0x9a: {  	[sflag:s16] =	ssyncset.done $0x0  }
0x9b: {  	[sflag:s16] =	ssyncadd.s32 $0xFFFFD800  }
0x9c: {  	_ =	swait.ge [sflag:s17], $0x50  }
0x9d: {  	[sflag:s17] =	ssyncset.done $0x0  }
0x9e: {  	[sflag:s17] =	ssyncadd.s32 $0xFFFFFFB0  }
0x9f: {  	[spmem:s11] =	stream.indirect.scatter.add.f32 [tilespmem:s8], [sflag:$0xB], $0x80, s9, s7, $0xb8;
	[tilespmem:$0x1DA80] =	vst v63  }
0xa0: {  	_ =	swait.ge [sflag:s18], $0x2800  }
0xa1: {  	[sflag:s18] =	ssyncset.done $0x0  }
0xa2: {  	s25 =	sadd.s32 $0x2800, s0;
	[sflag:s18] =	ssyncadd.s32 $0xFFFFD800  }
0xa3: {  	[tilespmem:s1], [sflag:$0x1] =	stream.linear.gather [hbm4b:s25+s1], $0x2800, $0x38;
	[tilespmem:$0x1DA80] =	vst v63  }
0xa4: {  	s31 =	rddreg [dreg:$0x1b]  }
0xa5: {  	[tilespmem:s2], [sflag:$0x5] =	stream.linear.gather [hbm4b:s31+s1], $0x50, $0x38;
	[tilespmem:$0x1DA80] =	vst v63  }
0xa6: {  	_ =	swait.ge [sflag:s19], $0x2800  }
0xa7: {  	[sflag:s19] =	ssyncset.done $0x0  }
0xa8: {  	[sflag:s19] =	ssyncadd.s32 $0xFFFFD800  }
0xa9: {  	_ =	swait.ge [sflag:s20], $0x50  }
0xaa: {  	[sflag:s20] =	ssyncset.done $0x0  }
0xab: {  	[sflag:s20] =	ssyncadd.s32 $0xFFFFFFB0  }
0xac: {  	[spmem:s11] =	stream.indirect.scatter.add.f32 [tilespmem:s14], [sflag:$0xC], $0x80, s15, s7, $0xb8;
	[tilespmem:$0x1DA80] =	vst v63  }
0xad: {  	_ =	swait.ge [sflag:s21], $0x2800  }
0xae: {  	s0 =	sadd.s32 $0x2D00, s0;
	s24 =	sadd.s32 $0x28, s24;
	[sflag:s21] =	ssyncset.done $0x0  }
0xaf: {  	s26 =	sadd.s32 $0x28, s26;
	s30 =	rddreg [dreg:$0x1a];
	[sflag:s21] =	ssyncadd.s32 $0xFFFFD800  }
0xb0: {  	[tilespmem:s3], [sflag:$0x2] =	stream.linear.gather [hbm4b:s0+s1], $0x2800, $0x38;
	[tilespmem:$0x1DA80] =	vst v63  }
0xb1: {  	s25 =	sadd.s32 $0x28, s31;
	s23 =	sadd.s32 $0x28, s30;
	s0 =	simm.s32 $0x1400  }
.LBB2_2:
0xb2: {  	[tilespmem:s4], [sflag:$0x6] =	stream.linear.gather [hbm4b:s30+s1], $0x50, $0x38;
	[tilespmem:$0x1DA80] =	vst v63  }
0xb3: {  	_ =	swait.ge [sflag:s5], $0x2800  }
0xb4: {  	[sflag:s5] =	ssyncset.done $0x0  }
0xb5: {  	[sflag:s5] =	ssyncadd.s32 $0xFFFFD800  }
0xb6: {  	_ =	swait.ge [sflag:s6], $0x50  }
0xb7: {  	[sflag:s6] =	ssyncset.done $0x0  }
0xb8: {  	[sflag:s6] =	ssyncadd.s32 $0xFFFFFFB0  }
0xb9: {  	[spmem:s11] =	stream.indirect.scatter.add.f32 [tilespmem:s1], [sflag:$0x9], $0x80, s2, s7, $0xb8;
	[tilespmem:$0x1DA80] =	vst v63  }
0xba: {  	_ =	swait.ge [sflag:s22], $0x2800  }
0xbb: {  	s31 =	smov.u32 s0;
	s10 =	rddreg [dreg:$0x6]  }
0xbc: {  	[sflag:s22] =	ssyncset.done $0x0;
	s31 =	sadd.s32 s31, s10  }
0xbd: {  	[sflag:s22] =	ssyncadd.s32 $0xFFFFD800;
	s10 =	sadd.s32 $0x1E00, s31  }
0xbe: {  	[tilespmem:s8], [sflag:$0x3] =	stream.linear.gather [hbm4b:s10+s1], $0x2800, $0x38;
	[tilespmem:$0x1DA80] =	vst v63  }
0xbf: {  	_ = 	snop  }
0xc0: {  	[tilespmem:s9], [sflag:$0x7] =	stream.linear.gather [hbm4b:s24+s1], $0x50, $0x38;
	[tilespmem:$0x1DA80] =	vst v63  }
0xc1: {  	_ =	swait.ge [sflag:s12], $0x2800  }
0xc2: {  	[sflag:s12] =	ssyncset.done $0x0  }
0xc3: {  	[sflag:s12] =	ssyncadd.s32 $0xFFFFD800  }
0xc4: {  	_ =	swait.ge [sflag:s13], $0x50  }
0xc5: {  	[sflag:s13] =	ssyncset.done $0x0  }
0xc6: {  	[sflag:s13] =	ssyncadd.s32 $0xFFFFFFB0  }
0xc7: {  	[spmem:s11] =	stream.indirect.scatter.add.f32 [tilespmem:s3], [sflag:$0xA], $0x80, s4, s7, $0xb8;
	[tilespmem:$0x1DA80] =	vst v63  }
0xc8: {  	_ =	swait.ge [sflag:s28], $0x2800  }
0xc9: {  	[sflag:s28] =	ssyncset.done $0x0  }
0xca: {  	s10 =	sadd.s32 $0x2300, s31;
	[sflag:s28] =	ssyncadd.s32 $0xFFFFD800  }
0xcb: {  	[tilespmem:s14], [sflag:$0x4] =	stream.linear.gather [hbm4b:s10+s1], $0x2800, $0x38;
	[tilespmem:$0x1DA80] =	vst v63  }
0xcc: {  	_ = 	snop  }
0xcd: {  	[tilespmem:s15], [sflag:$0x8] =	stream.linear.gather [hbm4b:s26+s1], $0x50, $0x38;
	[tilespmem:$0x1DA80] =	vst v63  }
0xce: {  	_ =	swait.ge [sflag:s16], $0x2800  }
0xcf: {  	[sflag:s16] =	ssyncset.done $0x0  }
0xd0: {  	[sflag:s16] =	ssyncadd.s32 $0xFFFFD800  }
0xd1: {  	_ =	swait.ge [sflag:s17], $0x50  }
0xd2: {  	[sflag:s17] =	ssyncset.done $0x0  }
0xd3: {  	[sflag:s17] =	ssyncadd.s32 $0xFFFFFFB0  }
0xd4: {  	[spmem:s11] =	stream.indirect.scatter.add.f32 [tilespmem:s8], [sflag:$0xB], $0x80, s9, s7, $0xb8;
	[tilespmem:$0x1DA80] =	vst v63  }
0xd5: {  	_ =	swait.ge [sflag:s18], $0x2800  }
0xd6: {  	[sflag:s18] =	ssyncset.done $0x0  }
0xd7: {  	s10 =	sadd.s32 $0x2800, s31;
	[sflag:s18] =	ssyncadd.s32 $0xFFFFD800  }
0xd8: {  	[tilespmem:s1], [sflag:$0x1] =	stream.linear.gather [hbm4b:s10+s1], $0x2800, $0x38;
	[tilespmem:$0x1DA80] =	vst v63  }
0xd9: {  	_ = 	snop  }
0xda: {  	[tilespmem:s2], [sflag:$0x5] =	stream.linear.gather [hbm4b:s25+s1], $0x50, $0x38;
	[tilespmem:$0x1DA80] =	vst v63  }
0xdb: {  	_ =	swait.ge [sflag:s19], $0x2800  }
0xdc: {  	[sflag:s19] =	ssyncset.done $0x0  }
0xdd: {  	[sflag:s19] =	ssyncadd.s32 $0xFFFFD800  }
0xde: {  	_ =	swait.ge [sflag:s20], $0x50  }
0xdf: {  	[sflag:s20] =	ssyncset.done $0x0  }
0xe0: {  	p1 =	sne.s32 s0, $0x23000;
	[sflag:s20] =	ssyncadd.s32 $0xFFFFFFB0  }
0xe1: {  	[spmem:s11] =	stream.indirect.scatter.add.f32 [tilespmem:s14], [sflag:$0xC], $0x80, s15, s7, $0xb8;
	[tilespmem:$0x1DA80] =	vst v63  }
.Ltmp0:
0xe2: {  	s30 =	smov.u32 s23;
	(pc) =	sbr.rel @p1 .LBB2_2-.Ltmp0, $4  }
0xe3: {  	s0 =	sadd.s32 $0x1400, s0;
	s23 =	sadd.s32 $0x28, s23;
	_ =	swait.ge [sflag:s21], $0x2800  }
0xe4: {  	s24 =	sadd.s32 $0x28, s24;
	s31 =	sadd.s32 $0x2D00, s31;
	[sflag:s21] =	ssyncset.done $0x0  }
0xe5: {  	s26 =	sadd.s32 $0x28, s26;
	s25 =	sadd.s32 $0x28, s25;
	[sflag:s21] =	ssyncadd.s32 $0xFFFFD800  }
0xe6: {  	[tilespmem:s3], [sflag:$0x2] =	stream.linear.gather [hbm4b:s31+s1], $0x2800, $0x38;
	[tilespmem:$0x1DA80] =	vst v63  }
0xe7: {  	[tilespmem:s4], [sflag:$0x6] =	stream.linear.gather [hbm4b:s30+s1], $0x50, $0x38;
	[tilespmem:$0x1DA80] =	vst v63  }
0xe8: {  	_ =	swait.ge [sflag:s5], $0x2800  }
0xe9: {  	[sflag:s5] =	ssyncset.done $0x0  }
0xea: {  	[sflag:s5] =	ssyncadd.s32 $0xFFFFD800  }
0xeb: {  	_ =	swait.ge [sflag:s6], $0x50  }
0xec: {  	[sflag:s6] =	ssyncset.done $0x0  }
0xed: {  	[sflag:s6] =	ssyncadd.s32 $0xFFFFFFB0  }
0xee: {  	[spmem:s11] =	stream.indirect.scatter.add.f32 [tilespmem:s1], [sflag:$0x9], $0x80, s2, s7, $0xb8;
	[tilespmem:$0x1DA80] =	vst v63  }
0xef: {  	_ =	swait.ge [sflag:s22], $0x2800  }
0xf0: {  	[sflag:s22] =	ssyncset.done $0x0  }
0xf1: {  	s0 =	rddreg [dreg:$0xd];
	[sflag:s22] =	ssyncadd.s32 $0xFFFFD800  }
0xf2: {  	[tilespmem:s8], [sflag:$0x3] =	stream.linear.gather [hbm4b:s0+s1], $0x2800, $0x38;
	[tilespmem:$0x1DA80] =	vst v63  }
0xf3: {  	s23 =	rddreg [dreg:$0x17]  }
0xf4: {  	[tilespmem:s9], [sflag:$0x7] =	stream.linear.gather [hbm4b:s23+s1], $0x50, $0x38;
	[tilespmem:$0x1DA80] =	vst v63  }
0xf5: {  	_ =	swait.ge [sflag:s12], $0x2800  }
0xf6: {  	[sflag:s12] =	ssyncset.done $0x0  }
0xf7: {  	[sflag:s12] =	ssyncadd.s32 $0xFFFFD800  }
0xf8: {  	_ =	swait.ge [sflag:s13], $0x50  }
0xf9: {  	[sflag:s13] =	ssyncset.done $0x0  }
0xfa: {  	[sflag:s13] =	ssyncadd.s32 $0xFFFFFFB0  }
0xfb: {  	[spmem:s11] =	stream.indirect.scatter.add.f32 [tilespmem:s3], [sflag:$0xA], $0x80, s4, s7, $0xb8;
	[tilespmem:$0x1DA80] =	vst v63  }
0xfc: {  	_ =	swait.ge [sflag:s28], $0x2800  }
0xfd: {  	[sflag:s28] =	ssyncset.done $0x0  }
0xfe: {  	s24 =	rddreg [dreg:$0xe];
	[sflag:s28] =	ssyncadd.s32 $0xFFFFD800  }
0xff: {  	[tilespmem:s14], [sflag:$0x4] =	stream.linear.gather [hbm4b:s24+s1], $0x2800, $0x38;
	[tilespmem:$0x1DA80] =	vst v63  }
0x100: {  	s25 =	rddreg [dreg:$0x18]  }
0x101: {  	[tilespmem:s15], [sflag:$0x8] =	stream.linear.gather [hbm4b:s25+s1], $0x50, $0x38;
	[tilespmem:$0x1DA80] =	vst v63  }
0x102: {  	_ =	swait.ge [sflag:s16], $0x2800  }
0x103: {  	[sflag:s16] =	ssyncset.done $0x0  }
0x104: {  	[sflag:s16] =	ssyncadd.s32 $0xFFFFD800  }
0x105: {  	_ =	swait.ge [sflag:s17], $0x50  }
0x106: {  	[sflag:s17] =	ssyncset.done $0x0  }
0x107: {  	[sflag:s17] =	ssyncadd.s32 $0xFFFFFFB0  }
0x108: {  	[spmem:s11] =	stream.indirect.scatter.add.f32 [tilespmem:s8], [sflag:$0xB], $0x80, s9, s7, $0xb8;
	[tilespmem:$0x1DA80] =	vst v63  }
0x109: {  	_ =	swait.ge [sflag:s18], $0x2800  }
0x10a: {  	[sflag:s18] =	ssyncset.done $0x0  }
0x10b: {  	s26 =	rddreg [dreg:$0xf];
	[sflag:s18] =	ssyncadd.s32 $0xFFFFD800  }
0x10c: {  	[tilespmem:s1], [sflag:$0x1] =	stream.linear.gather [hbm4b:s26+s1], $0x2800, $0x38;
	[tilespmem:$0x1DA80] =	vst v63  }
0x10d: {  	s30 =	rddreg [dreg:$0x19]  }
0x10e: {  	[tilespmem:s2], [sflag:$0x5] =	stream.linear.gather [hbm4b:s30+s1], $0x50, $0x38;
	[tilespmem:$0x1DA80] =	vst v63  }
0x10f: {  	_ =	swait.ge [sflag:s19], $0x2800  }
0x110: {  	[sflag:s19] =	ssyncset.done $0x0  }
0x111: {  	[sflag:s19] =	ssyncadd.s32 $0xFFFFD800  }
0x112: {  	_ =	swait.ge [sflag:s20], $0x50  }
0x113: {  	[sflag:s20] =	ssyncset.done $0x0  }
0x114: {  	[sflag:s20] =	ssyncadd.s32 $0xFFFFFFB0  }
0x115: {  	[spmem:s11] =	stream.indirect.scatter.add.f32 [tilespmem:s14], [sflag:$0xC], $0x80, s15, s7, $0xb8;
	[tilespmem:$0x1DA80] =	vst v63  }
0x116: {  	_ =	swait.ge [sflag:s21], $0x2800  }
0x117: {  	[sflag:s21] =	ssyncset.done $0x0  }
0x118: {  	[sflag:s21] =	ssyncadd.s32 $0xFFFFD800  }
0x119: {  	_ =	swait.ge [sflag:s5], $0x2800  }
0x11a: {  	[sflag:s5] =	ssyncset.done $0x0  }
0x11b: {  	[sflag:s5] =	ssyncadd.s32 $0xFFFFD800  }
0x11c: {  	_ =	swait.ge [sflag:s6], $0x50  }
0x11d: {  	[sflag:s6] =	ssyncset.done $0x0  }
0x11e: {  	[sflag:s6] =	ssyncadd.s32 $0xFFFFFFB0  }
0x11f: {  	[spmem:s11] =	stream.indirect.scatter.add.f32 [tilespmem:s1], [sflag:$0x9], $0x80, s2, s7, $0xb8;
	[tilespmem:$0x1DA80] =	vst v63  }
0x120: {  	_ =	swait.ge [sflag:s22], $0x2800  }
0x121: {  	[sflag:s22] =	ssyncset.done $0x0  }
0x122: {  	[sflag:s22] =	ssyncadd.s32 $0xFFFFD800  }
0x123: {  	_ =	swait.ge [sflag:s28], $0x2800  }
0x124: {  	[sflag:s28] =	ssyncset.done $0x0  }
0x125: {  	[sflag:s28] =	ssyncadd.s32 $0xFFFFD800  }
0x126: {  	_ =	swait.ge [sflag:s18], $0x2800  }
0x127: {  	[sflag:s18] =	ssyncset.done $0x0  }
0x128: {  	[sflag:s18] =	ssyncadd.s32 $0xFFFFD800  }
0x129: {  	[bflag:$0x0] =	sbarrier.arrive $0xFFFF  }
0x12a: {  	s10 =	sld [smem:$0x7FB]  }
0x12b: {  	s23 =	sld [smem:$0x7F7];
	_ =	sdelay $0x1  }
0x12c: {  	s0 =	simm.s32 @p0 $0x1FCD  }
0x12d: {  	[hbm:s10], [sflag:s0] =	dma.local @p0 [spmem:s23], $0x2080  }
0x12e: {  	s0 =	simm.s32 @p0 $0xD  }
0x12f: {  	_ =	swait.ge @p0 [sflag:s0], $0x2080  }
0x130: {  	s10 =	sld [smem:$0x7F8]  }
0x131: {  	s23 =	sld [smem:$0x7F9]  }
0x132: {  	[sflag:s0] =	ssyncset.done @p0 $0x0  }
0x133: {  	[sflag:s0] =	ssyncadd.s32 @p0 $0xFFFFDF80;
	s0 =	rddreg [dreg:$0x10]  }
0x134: {  	[hbm:s0], [sflag:s10] =	dma.local @!p0 [spmem:s23], $0x2780  }
0x135: {  	s0 =	simm.s32 @!p0 $0xD  }
0x136: {  	_ =	swait.ge @!p0 [sflag:s0], $0x2780  }
0x137: {  	s31 =	sld [smem:$0x7FC];
	_ =	sdelay $0x1  }
0x138: {  	s29 =	sadd.s32 $0x1, s29  }
0x139: {  	p1 =	sne.s32 s29, s31  }
.Ltmp1:
0x13a: {  	_ = 	snop;
	(pc) =	sbr.rel @p1 .LBB2_1-.Ltmp1, $3  }
0x13b: {  	_ =	sdelay $0x1  }
0x13c: {  	[sflag:s0] =	ssyncset.done @!p0 $0x0  }
0x13d: {  	[sflag:s0] =	ssyncadd.s32 @!p0 $0xFFFFD880  }
0x13e: {  	_ =	sfence.sel $0x180000  }
0x13f: {  	[bflag:$0x0] =	sbarrier.arrive $0xFFFF  }
0x140: {  	_ =	strace $0x90000047  }
0x141: {  	s0 =	stileid.u32;
	[bflag:$0x2] =	sbarrier.arrive $0xFFFF  }
0x142: {  	p0 =	sne.s32 s0, $0x0;
	s0 =	rddreg [dreg:$0x5]  }
0x143: {  	s0 =	sadd.s32 @!p0 $0x100000, s0  }
0x144: {  	[sflag:s0] =	ssyncadd.tile.s32 @!p0 $0x1;
	_ =	shalt  }
.Lfunc_end2:
_tile_overlayer_lowered:
.L_overlay_start_2:
0x145: {  	(tag) =	ssettag $0x2  }
0x146: {  	s0 =	rddreg [dreg:$0x0];
	s2 =	stileid.u32  }
0x147: {  	s1 =	rddreg [dreg:$0x1];
	p0 =	sne.s32 s2, $0x0  }
0x148: {  	s3 =	rddreg [dreg:$0x2];
	[bflag:$0x3] =	sbarrier.arrive $0xFFFF;
	s2 =	simm.s32 @!p0 $0x1C0D  }
0x149: {  	[timem:s3], [sflag:s2] =	dma.local @!p0 [hbm:s0], s1  }
0x14a: {  	s0 =	simm.s32 @!p0 $0xD  }
0x14b: {  	_ =	swait.ge @!p0 [sflag:s0], s1  }
0x14c: {  	s1 =	ssub.s32 @!p0 $0x0, s1;
	[sflag:s0] =	ssyncset.done @!p0 $0x0  }
0x14d: {  	[sflag:s0] =	ssyncadd.s32 @!p0 s1  }
0x14e: {  	[bflag:$0x3] =	sbarrier.arrive $0xFFFF  }
0x14f: {  	_ =	shalt  }

</sc_bundles>
